<compile_context>
chip_gen: v7x
topology: tpu7x:2x2x1
jax: 0.10.2.dev20260603
libtpu: 0.0.44.dev20260713+nightly
codegen_flags: <defaults>
</compile_context>

<pallas_src>
import functools

import jax
import jax.numpy as jnp
from jax import lax
from jax.experimental import pallas as pl
from jax.experimental.pallas import tpu as pltpu
from jax.experimental.pallas import tpu_sc as plsc

_B = 4
_N = 256
_BIG_MULT = 10.0
_COEF = 0.15 * 1 / 10000

_L = 16
_NC = 2
_NCHUNK = _N // _L
_SENT = 3.0e38
_BIGKEY = 2 ** 30


def _build_kernel(logits_ref, ei_ref, ej_ref, dist_ref, w_ref, l1_ref):
    dist = dist_ref[...]
    big = _BIG_MULT * jnp.max(dist)
    iota_col = lax.broadcasted_iota(jnp.int32, (_N, _N), 0)
    iota_row = lax.broadcasted_iota(jnp.int32, (_N, _N), 1)
    diag = iota_col == iota_row
    l1_acc = jnp.float32(0.0)
    for b in range(_B):
        db = dist[b]
        dbt = db.T
        ei = ei_ref[b].reshape(1, _N)
        ej = ej_ref[b].reshape(1, _N)
        ut = (iota_col == ei).astype(jnp.float32)
        vt = (iota_col == ej).astype(jnp.float32)
        cdims = (((1,), (1,)), ((), ()))
        m = lax.dot_general(ut, vt, cdims, preferred_element_type=jnp.float32)
        mt = lax.dot_general(vt, ut, cdims, preferred_element_type=jnp.float32)
        wa = jnp.where(mt > 0.5, dbt, jnp.where(m > 0.5, db, big))
        wa = jnp.where(diag, 0.0, wa)
        l0 = logits_ref[b, 0]
        l1v = logits_ref[b, 1]
        p = 1.0 / (1.0 + jnp.exp(l0 - l1v))
        wb = (1.0 - p) * big + p * db
        w_ref[b] = wa
        w_ref[_B + b] = jnp.minimum(wa, wb)
        l1_acc = l1_acc + jnp.sum(jnp.abs(wa - wb))
    l1_ref[0, 0] = l1_acc / jnp.float32(_B * _N * _N)


def _lane_min(x):
    lane = lax.broadcasted_iota(jnp.int32, (_L,), 0)
    for sh in (8, 4, 2, 1):
        idx = jnp.bitwise_xor(lane, sh)
        x = jnp.minimum(x, x.at[idx].get(mode="promise_in_bounds"))
    return x


def _sc_prim_body(w_hbm, out_hbm, w_v, md_v, out_v):
    c = lax.axis_index("c")
    s = lax.axis_index("s")
    wid = s * _NC + c

    @pl.when(wid < 2 * _B)
    def _():
        pltpu.sync_copy(w_hbm.at[wid], w_v)
        lane = lax.broadcasted_iota(jnp.int32, (_L,), 0)
        acc0 = jnp.full((_L,), _SENT, jnp.float32)
        for ck in range(_NCHUNK):
            row = w_v[pl.ds(ck * _L, _L)]
            if ck == 0:
                row = jnp.where(lane == 0, _SENT, row)
            md_v[pl.ds(ck * _L, _L)] = row
            acc0 = jnp.minimum(acc0, row)

        def step(_, carry):
            total, acc = carry
            mvec = _lane_min(acc)
            kacc = jnp.full((_L,), _BIGKEY, jnp.int32)
            for ck in range(_NCHUNK):
                md = md_v[pl.ds(ck * _L, _L)]
                key = jnp.where(md == mvec, lane + ck * _L, _BIGKEY)
                kacc = jnp.minimum(kacc, key)
            vvec = _lane_min(kacc)
            nacc = jnp.full((_L,), _SENT, jnp.float32)
            for ck in range(_NCHUNK):
                col = lane + ck * _L
                row = plsc.load_gather(w_v, [vvec * _N + col])
                old = md_v[pl.ds(ck * _L, _L)]
                nmd = jnp.minimum(old, row)
                dead = (old == _SENT) | (col == vvec)
                nmd = jnp.where(dead, _SENT, nmd)
                md_v[pl.ds(ck * _L, _L)] = nmd
                nacc = jnp.minimum(nacc, nmd)
            return total + mvec, nacc

        total, _ = lax.fori_loop(
            0, _N - 1, step,
            (jnp.zeros((_L,), jnp.float32), acc0))
        out_v[...] = total
        pltpu.sync_copy(out_v, out_hbm.at[wid])


@functools.cache
def _sc_prim():
    return pl.kernel(
        _sc_prim_body,
        out_type=jax.ShapeDtypeStruct((2 * _B, _L), jnp.float32),
        mesh=plsc.VectorSubcoreMesh(
            core_axis_name="c", subcore_axis_name="s",
            num_cores=_NC, num_subcores=16),
        compiler_params=pltpu.CompilerParams(needs_layout_passes=False),
        scratch_types=[
            pltpu.VMEM((_N * _N,), jnp.float32),
            pltpu.VMEM((_N,), jnp.float32),
            pltpu.VMEM((_L,), jnp.float32),
        ],
    )


@jax.jit
def kernel(logits, tour_edges, dist):
    ei = tour_edges[..., 0].astype(jnp.int32)
    ej = tour_edges[..., 1].astype(jnp.int32)
    w, l1 = pl.pallas_call(
        _build_kernel,
        out_shape=(
            jax.ShapeDtypeStruct((2 * _B, _N, _N), jnp.float32),
            jax.ShapeDtypeStruct((1, 1), jnp.float32),
        ),
        in_specs=[
            pl.BlockSpec(memory_space=pltpu.VMEM),
            pl.BlockSpec(memory_space=pltpu.VMEM),
            pl.BlockSpec(memory_space=pltpu.VMEM),
            pl.BlockSpec(memory_space=pltpu.VMEM),
        ],
        out_specs=(
            pl.BlockSpec(memory_space=pltpu.VMEM),
            pl.BlockSpec(memory_space=pltpu.SMEM),
        ),
    )(logits, ei, ej, dist)
    totals = _sc_prim()(w.reshape(2 * _B, _N * _N))[:, 0]
    mst_a = totals[:_B]
    mst_c = totals[_B:]
    topo = jnp.mean(mst_a - mst_c) + 0.001 * l1[0, 0]
    return _COEF * topo

# --- scband reference (transcript-rebuilt; emitter-appended) ---
"""Pipeline reference for scband-rtdlite-regularizer-31396210934340 (READ-ONLY COPY).

The authoritative reference and input builder live on the scoring server;
editing this copy changes nothing except your own understanding.
"""

import jax, jax.numpy as jnp
import numpy as np

B, N = 4, 256
BIG_MULT = 10.0
MAX_COEF = 0.15
WARMUP_STEPS = 10000
STEP = 1


def setup_inputs(seed: int = 0) -> dict:
    key = jax.random.key(seed)
    k1, k2, k3 = jax.random.split(key, 3)
    logits = jax.random.normal(k1, (B, 2, N, N), dtype=jnp.float32)
    dist = jax.random.uniform(k2, (B, N, N), dtype=jnp.float32)
    tour_edges = jax.random.randint(k3, (B, N, 2), 0, N)
    return {"logits": logits, "tour_edges": tour_edges, "dist": dist}


def _prim_mst_total(weights):
    n = weights.shape[0]
    selected0 = jnp.zeros((n,), dtype=bool).at[0].set(True)

    def step(carry, _):
        selected, total = carry
        mask = selected[:, None] & (~selected[None, :])
        cand = jnp.where(mask, weights, jnp.inf)
        flat = cand.reshape(-1)
        idx = jnp.argmin(flat)
        min_val = flat[idx]
        v = idx % n
        selected = selected.at[v].set(True)
        return (selected, total + min_val), None

    (sel, total), _ = jax.lax.scan(step, (selected0, jnp.float32(0.0)), None, length=n - 1)
    return total


prim_mst_total = jax.vmap(_prim_mst_total)


def reference(logits, tour_edges, dist):
    BIG = BIG_MULT * jnp.max(dist)
    Bb, Nn, _ = dist.shape
    # build_weights_ground_truth (batch branch, vectorized over b)
    WA = jnp.full_like(dist, BIG)
    bi = jnp.arange(Bb)[:, None]
    i = tour_edges[..., 0]
    j = tour_edges[..., 1]
    vals = dist[bi, i, j]
    WA = WA.at[bi, i, j].set(vals)
    WA = WA.at[bi, j, i].set(vals)
    dg = jnp.arange(Nn)
    WA = WA.at[:, dg, dg].set(0.0)
    # build_weights_prediction
    p = jax.nn.softmax(logits, axis=1)[:, 1]
    WB = (1.0 - p) * BIG + p * dist
    # losses
    l1 = jnp.mean(jnp.abs(WA - WB))
    WC = jnp.minimum(WA, WB)
    mst_A = prim_mst_total(jax.lax.stop_gradient(WA))
    mst_C = prim_mst_total(WC)
    topo_loss = jnp.mean(mst_A - mst_C) + 0.001 * l1
    coef = MAX_COEF * STEP / WARMUP_STEPS  # step=1 < warmup
    return coef * topo_loss

if __name__ == "__main__":
    import jax
    _d = setup_inputs()
    print(jax.jit(kernel)(*tuple(_d.values())))

</pallas_src>

<mosaic_0001>
#map = affine_map<(d0, d1) -> (0, 0)>
module attributes {stable_mosaic.version = 14 : i64} {
  func.func @_sc_prim_body(%arg0: i32, %arg1: i32, %arg2: memref<8x65536xf32, #tpu.memory_space<hbm>>, %arg3: memref<8x16xf32, #tpu.memory_space<hbm>>, %arg4: memref<65536xf32, #tpu.memory_space<vmem>>, %arg5: memref<256xf32, #tpu.memory_space<vmem>>, %arg6: memref<16xf32, #tpu.memory_space<vmem>>) attributes {dimension_semantics = [#tpu.dimension_semantics<core_parallel>, #tpu.dimension_semantics<subcore_parallel>], iteration_bounds = array<i64: 2, 16>, scalar_prefetch = 0 : i64, scratch_operands = 3 : i64, tpu.core_type = #tpu.core_type<sc_vector_subcore>, window_params = [{transform_indices = #map}, {transform_indices = #map}]} {
    %mul3A = arith.constant 2 : i32
    %mul3A_0 = arith.muli %arg1, %mul3A : i32
    %add3A = arith.addi %mul3A_0, %arg0 : i32
    %lt3A = arith.constant 8 : i32
    %lt3A_1 = arith.cmpi slt, %add3A, %lt3A : i32
    %convert_element_type3A = arith.extui %lt3A_1 : i1 to i32
    %cond3A = arith.constant 0 : i32
    %cond3A_2 = arith.cmpi ne, %convert_element_type3A, %cond3A : i32
    scf.if %cond3A_2 {
      "tpu.region"() ({
        %run_scoped3A = tpu.sem_alloc : memref<!tpu.dma_semaphore, #tpu.memory_space<semaphore_mem>>
        %dma_start3A = arith.constant 0 : i32
        %dma_start3A_93 = tpu.memref_slice %arg2[%add3A, %dma_start3A] : memref<8x65536xf32, #tpu.memory_space<hbm>> -> memref<1x65536xf32, #tpu.memory_space<hbm>>
        %dma_start3A_94 = tpu.memref_squeeze %dma_start3A_93 : memref<1x65536xf32, #tpu.memory_space<hbm>> -> memref<65536xf32, #tpu.memory_space<hbm>>
        %dma_start3A_95 = arith.constant 0 : i32
        %dma_start3A_96 = tpu.memref_slice %arg2[%add3A, %dma_start3A_95] : memref<8x65536xf32, #tpu.memory_space<hbm>> -> memref<1x65536xf32, #tpu.memory_space<hbm>>
        %dma_start3A_97 = tpu.memref_squeeze %dma_start3A_96 : memref<1x65536xf32, #tpu.memory_space<hbm>> -> memref<65536xf32, #tpu.memory_space<hbm>>
        tpu.enqueue_dma source(%dma_start3A_97 : memref<65536xf32, #tpu.memory_space<hbm>>) target(%arg4 : memref<65536xf32, #tpu.memory_space<vmem>>) target_semaphore(%run_scoped3A : memref<!tpu.dma_semaphore, #tpu.memory_space<semaphore_mem>>)
        %dma_wait3A = arith.constant 0 : i32
        %dma_wait3A_98 = tpu.memref_slice %arg2[%add3A, %dma_wait3A] : memref<8x65536xf32, #tpu.memory_space<hbm>> -> memref<1x65536xf32, #tpu.memory_space<hbm>>
        %dma_wait3A_99 = tpu.memref_squeeze %dma_wait3A_98 : memref<1x65536xf32, #tpu.memory_space<hbm>> -> memref<65536xf32, #tpu.memory_space<hbm>>
        %dma_wait3A_100 = arith.constant 0 : i32
        %dma_wait3A_101 = tpu.memref_slice %arg2[%add3A, %dma_wait3A_100] : memref<8x65536xf32, #tpu.memory_space<hbm>> -> memref<1x65536xf32, #tpu.memory_space<hbm>>
        %dma_wait3A_102 = tpu.memref_squeeze %dma_wait3A_101 : memref<1x65536xf32, #tpu.memory_space<hbm>> -> memref<65536xf32, #tpu.memory_space<hbm>>
        tpu.wait_dma2 semaphore(%run_scoped3A : memref<!tpu.dma_semaphore, #tpu.memory_space<semaphore_mem>>) src(%dma_wait3A_102 : memref<65536xf32, #tpu.memory_space<hbm>>) dst(%arg4 : memref<65536xf32, #tpu.memory_space<vmem>>)
        tpu.yield
      }) : () -> ()
      %iota3A = tpu.iota {dimensions = array<i32: 0>} : vector<16xi32>
      %broadcast_in_dim3A = arith.constant 3.000000e+38 : f32
      %broadcast_in_dim3A_3 = vector.broadcast %broadcast_in_dim3A : f32 to vector<16xf32>
      %get3A = arith.constant 0 : index
      %get3A_4 = tpu.vector_load %arg4[%get3A] {strides = array<i32>} : memref<65536xf32, #tpu.memory_space<vmem>>, vector<16xf32>,
      %eq3A = arith.constant 0 : i32
      %eq3A_5 = vector.broadcast %eq3A : i32 to vector<16xi32>
      %eq3A_6 = arith.cmpi eq, %iota3A, %eq3A_5 : vector<16xi32>
      %jit3A = arith.constant 3.000000e+38 : f32
      %broadcast_in_dim3A_7 = vector.broadcast %jit3A : f32 to vector<16xf32>
      %select_n3A = arith.select %eq3A_6, %broadcast_in_dim3A_7, %get3A_4 : vector<16xi1>, vector<16xf32>
      %swap3A = arith.constant 0 : index
      %swap3A_8 = tpu.vector_load %arg5[%swap3A] {strides = array<i32>} : memref<256xf32, #tpu.memory_space<vmem>>, vector<16xf32>,
      tpu.vector_store %arg5[%swap3A], %select_n3A {strides = array<i32>} : memref<256xf32, #tpu.memory_space<vmem>>, vector<16xf32>,
      %min3A = arith.minimumf %broadcast_in_dim3A_3, %select_n3A : vector<16xf32>
      %get3A_9 = arith.constant 16 : index
      %get3A_10 = tpu.vector_load %arg4[%get3A_9] {strides = array<i32>} : memref<65536xf32, #tpu.memory_space<vmem>>, vector<16xf32>,
      %swap3A_11 = arith.constant 16 : index
      %swap3A_12 = tpu.vector_load %arg5[%swap3A_11] {strides = array<i32>} : memref<256xf32, #tpu.memory_space<vmem>>, vector<16xf32>,
      tpu.vector_store %arg5[%swap3A_11], %get3A_10 {strides = array<i32>} : memref<256xf32, #tpu.memory_space<vmem>>, vector<16xf32>,
      %min3A_13 = arith.minimumf %min3A, %get3A_10 : vector<16xf32>
      %get3A_14 = arith.constant 32 : index
      %get3A_15 = tpu.vector_load %arg4[%get3A_14] {strides = array<i32>} : memref<65536xf32, #tpu.memory_space<vmem>>, vector<16xf32>,
      %swap3A_16 = arith.constant 32 : index
      %swap3A_17 = tpu.vector_load %arg5[%swap3A_16] {strides = array<i32>} : memref<256xf32, #tpu.memory_space<vmem>>, vector<16xf32>,
      tpu.vector_store %arg5[%swap3A_16], %get3A_15 {strides = array<i32>} : memref<256xf32, #tpu.memory_space<vmem>>, vector<16xf32>,
      %min3A_18 = arith.minimumf %min3A_13, %get3A_15 : vector<16xf32>
      %get3A_19 = arith.constant 48 : index
      %get3A_20 = tpu.vector_load %arg4[%get3A_19] {strides = array<i32>} : memref<65536xf32, #tpu.memory_space<vmem>>, vector<16xf32>,
      %swap3A_21 = arith.constant 48 : index
      %swap3A_22 = tpu.vector_load %arg5[%swap3A_21] {strides = array<i32>} : memref<256xf32, #tpu.memory_space<vmem>>, vector<16xf32>,
      tpu.vector_store %arg5[%swap3A_21], %get3A_20 {strides = array<i32>} : memref<256xf32, #tpu.memory_space<vmem>>, vector<16xf32>,
      %min3A_23 = arith.minimumf %min3A_18, %get3A_20 : vector<16xf32>
      %get3A_24 = arith.constant 64 : index
      %get3A_25 = tpu.vector_load %arg4[%get3A_24] {strides = array<i32>} : memref<65536xf32, #tpu.memory_space<vmem>>, vector<16xf32>,
      %swap3A_26 = arith.constant 64 : index
      %swap3A_27 = tpu.vector_load %arg5[%swap3A_26] {strides = array<i32>} : memref<256xf32, #tpu.memory_space<vmem>>, vector<16xf32>,
      tpu.vector_store %arg5[%swap3A_26], %get3A_25 {strides = array<i32>} : memref<256xf32, #tpu.memory_space<vmem>>, vector<16xf32>,
      %min3A_28 = arith.minimumf %min3A_23, %get3A_25 : vector<16xf32>
      %get3A_29 = arith.constant 80 : index
      %get3A_30 = tpu.vector_load %arg4[%get3A_29] {strides = array<i32>} : memref<65536xf32, #tpu.memory_space<vmem>>, vector<16xf32>,
      %swap3A_31 = arith.constant 80 : index
      %swap3A_32 = tpu.vector_load %arg5[%swap3A_31] {strides = array<i32>} : memref<256xf32, #tpu.memory_space<vmem>>, vector<16xf32>,
      tpu.vector_store %arg5[%swap3A_31], %get3A_30 {strides = array<i32>} : memref<256xf32, #tpu.memory_space<vmem>>, vector<16xf32>,
      %min3A_33 = arith.minimumf %min3A_28, %get3A_30 : vector<16xf32>
      %get3A_34 = arith.constant 96 : index
      %get3A_35 = tpu.vector_load %arg4[%get3A_34] {strides = array<i32>} : memref<65536xf32, #tpu.memory_space<vmem>>, vector<16xf32>,
      %swap3A_36 = arith.constant 96 : index
      %swap3A_37 = tpu.vector_load %arg5[%swap3A_36] {strides = array<i32>} : memref<256xf32, #tpu.memory_space<vmem>>, vector<16xf32>,
      tpu.vector_store %arg5[%swap3A_36], %get3A_35 {strides = array<i32>} : memref<256xf32, #tpu.memory_space<vmem>>, vector<16xf32>,
      %min3A_38 = arith.minimumf %min3A_33, %get3A_35 : vector<16xf32>
      %get3A_39 = arith.constant 112 : index
      %get3A_40 = tpu.vector_load %arg4[%get3A_39] {strides = array<i32>} : memref<65536xf32, #tpu.memory_space<vmem>>, vector<16xf32>,
      %swap3A_41 = arith.constant 112 : index
      %swap3A_42 = tpu.vector_load %arg5[%swap3A_41] {strides = array<i32>} : memref<256xf32, #tpu.memory_space<vmem>>, vector<16xf32>,
      tpu.vector_store %arg5[%swap3A_41], %get3A_40 {strides = array<i32>} : memref<256xf32, #tpu.memory_space<vmem>>, vector<16xf32>,
      %min3A_43 = arith.minimumf %min3A_38, %get3A_40 : vector<16xf32>
      %get3A_44 = arith.constant 128 : index
      %get3A_45 = tpu.vector_load %arg4[%get3A_44] {strides = array<i32>} : memref<65536xf32, #tpu.memory_space<vmem>>, vector<16xf32>,
      %swap3A_46 = arith.constant 128 : index
      %swap3A_47 = tpu.vector_load %arg5[%swap3A_46] {strides = array<i32>} : memref<256xf32, #tpu.memory_space<vmem>>, vector<16xf32>,
      tpu.vector_store %arg5[%swap3A_46], %get3A_45 {strides = array<i32>} : memref<256xf32, #tpu.memory_space<vmem>>, vector<16xf32>,
      %min3A_48 = arith.minimumf %min3A_43, %get3A_45 : vector<16xf32>
      %get3A_49 = arith.constant 144 : index
      %get3A_50 = tpu.vector_load %arg4[%get3A_49] {strides = array<i32>} : memref<65536xf32, #tpu.memory_space<vmem>>, vector<16xf32>,
      %swap3A_51 = arith.constant 144 : index
      %swap3A_52 = tpu.vector_load %arg5[%swap3A_51] {strides = array<i32>} : memref<256xf32, #tpu.memory_space<vmem>>, vector<16xf32>,
      tpu.vector_store %arg5[%swap3A_51], %get3A_50 {strides = array<i32>} : memref<256xf32, #tpu.memory_space<vmem>>, vector<16xf32>,
      %min3A_53 = arith.minimumf %min3A_48, %get3A_50 : vector<16xf32>
      %get3A_54 = arith.constant 160 : index
      %get3A_55 = tpu.vector_load %arg4[%get3A_54] {strides = array<i32>} : memref<65536xf32, #tpu.memory_space<vmem>>, vector<16xf32>,
      %swap3A_56 = arith.constant 160 : index
      %swap3A_57 = tpu.vector_load %arg5[%swap3A_56] {strides = array<i32>} : memref<256xf32, #tpu.memory_space<vmem>>, vector<16xf32>,
      tpu.vector_store %arg5[%swap3A_56], %get3A_55 {strides = array<i32>} : memref<256xf32, #tpu.memory_space<vmem>>, vector<16xf32>,
      %min3A_58 = arith.minimumf %min3A_53, %get3A_55 : vector<16xf32>
      %get3A_59 = arith.constant 176 : index
      %get3A_60 = tpu.vector_load %arg4[%get3A_59] {strides = array<i32>} : memref<65536xf32, #tpu.memory_space<vmem>>, vector<16xf32>,
      %swap3A_61 = arith.constant 176 : index
      %swap3A_62 = tpu.vector_load %arg5[%swap3A_61] {strides = array<i32>} : memref<256xf32, #tpu.memory_space<vmem>>, vector<16xf32>,
      tpu.vector_store %arg5[%swap3A_61], %get3A_60 {strides = array<i32>} : memref<256xf32, #tpu.memory_space<vmem>>, vector<16xf32>,
      %min3A_63 = arith.minimumf %min3A_58, %get3A_60 : vector<16xf32>
      %get3A_64 = arith.constant 192 : index
      %get3A_65 = tpu.vector_load %arg4[%get3A_64] {strides = array<i32>} : memref<65536xf32, #tpu.memory_space<vmem>>, vector<16xf32>,
      %swap3A_66 = arith.constant 192 : index
      %swap3A_67 = tpu.vector_load %arg5[%swap3A_66] {strides = array<i32>} : memref<256xf32, #tpu.memory_space<vmem>>, vector<16xf32>,
      tpu.vector_store %arg5[%swap3A_66], %get3A_65 {strides = array<i32>} : memref<256xf32, #tpu.memory_space<vmem>>, vector<16xf32>,
      %min3A_68 = arith.minimumf %min3A_63, %get3A_65 : vector<16xf32>
      %get3A_69 = arith.constant 208 : index
      %get3A_70 = tpu.vector_load %arg4[%get3A_69] {strides = array<i32>} : memref<65536xf32, #tpu.memory_space<vmem>>, vector<16xf32>,
      %swap3A_71 = arith.constant 208 : index
      %swap3A_72 = tpu.vector_load %arg5[%swap3A_71] {strides = array<i32>} : memref<256xf32, #tpu.memory_space<vmem>>, vector<16xf32>,
      tpu.vector_store %arg5[%swap3A_71], %get3A_70 {strides = array<i32>} : memref<256xf32, #tpu.memory_space<vmem>>, vector<16xf32>,
      %min3A_73 = arith.minimumf %min3A_68, %get3A_70 : vector<16xf32>
      %get3A_74 = arith.constant 224 : index
      %get3A_75 = tpu.vector_load %arg4[%get3A_74] {strides = array<i32>} : memref<65536xf32, #tpu.memory_space<vmem>>, vector<16xf32>,
      %swap3A_76 = arith.constant 224 : index
      %swap3A_77 = tpu.vector_load %arg5[%swap3A_76] {strides = array<i32>} : memref<256xf32, #tpu.memory_space<vmem>>, vector<16xf32>,
      tpu.vector_store %arg5[%swap3A_76], %get3A_75 {strides = array<i32>} : memref<256xf32, #tpu.memory_space<vmem>>, vector<16xf32>,
      %min3A_78 = arith.minimumf %min3A_73, %get3A_75 : vector<16xf32>
      %get3A_79 = arith.constant 240 : index
      %get3A_80 = tpu.vector_load %arg4[%get3A_79] {strides = array<i32>} : memref<65536xf32, #tpu.memory_space<vmem>>, vector<16xf32>,
      %swap3A_81 = arith.constant 240 : index
      %swap3A_82 = tpu.vector_load %arg5[%swap3A_81] {strides = array<i32>} : memref<256xf32, #tpu.memory_space<vmem>>, vector<16xf32>,
      tpu.vector_store %arg5[%swap3A_81], %get3A_80 {strides = array<i32>} : memref<256xf32, #tpu.memory_space<vmem>>, vector<16xf32>,
      %min3A_83 = arith.minimumf %min3A_78, %get3A_80 : vector<16xf32>
      %broadcast_in_dim3A_84 = arith.constant 0.000000e+00 : f32
      %broadcast_in_dim3A_85 = vector.broadcast %broadcast_in_dim3A_84 : f32 to vector<16xf32>
      %scan3A = arith.constant 0 : i32
      %scan3A_86 = arith.constant 255 : i32
      %scan3A_87 = arith.addi %scan3A, %scan3A_86 : i32
      %scan3A_88 = arith.constant 1 : i32
      %scan3A_89:2 = scf.for %scan3A_93 = %scan3A to %scan3A_87 step %scan3A_88 iter_args(%scan3A_94 = %broadcast_in_dim3A_85, %scan3A_95 = %min3A_83) -> (vector<16xf32>, vector<16xf32>)  : i32 {
        %iota3A_96 = tpu.iota {dimensions = array<i32: 0>} : vector<16xi32>
        %xor3A = arith.constant 8 : i32
        %xor3A_97 = vector.broadcast %xor3A : i32 to vector<16xi32>
        %xor3A_98 = arith.xori %iota3A_96, %xor3A_97 : vector<16xi32>
        %lt3A_99 = arith.constant 0 : i32
        %lt3A_100 = vector.broadcast %lt3A_99 : i32 to vector<16xi32>
        %lt3A_101 = arith.cmpi slt, %xor3A_98, %lt3A_100 : vector<16xi32>
        %add3A_102 = arith.constant 16 : i32
        %add3A_103 = vector.broadcast %add3A_102 : i32 to vector<16xi32>
        %add3A_104 = arith.addi %xor3A_98, %add3A_103 : vector<16xi32>
        %select_n3A_105 = arith.select %lt3A_101, %add3A_104, %xor3A_98 : vector<16xi1>, vector<16xi32>
        %broadcast_in_dim3A_106 = vector.shape_cast %select_n3A_105 : vector<16xi32> to vector<16x1xi32>
        %gather3A = vector.shape_cast %broadcast_in_dim3A_106 : vector<16x1xi32> to vector<16xi32>
        %gather3A_107 = tpu.dynamic_gather %scan3A_95[%gather3A] in [0] : vector<16xf32>, vector<16xi32> -> vector<16xf32>
        %min3A_108 = arith.minimumf %scan3A_95, %gather3A_107 : vector<16xf32>
        %xor3A_109 = arith.constant 4 : i32
        %xor3A_110 = vector.broadcast %xor3A_109 : i32 to vector<16xi32>
        %xor3A_111 = arith.xori %iota3A_96, %xor3A_110 : vector<16xi32>
        %lt3A_112 = arith.constant 0 : i32
        %lt3A_113 = vector.broadcast %lt3A_112 : i32 to vector<16xi32>
        %lt3A_114 = arith.cmpi slt, %xor3A_111, %lt3A_113 : vector<16xi32>
        %add3A_115 = arith.constant 16 : i32
        %add3A_116 = vector.broadcast %add3A_115 : i32 to vector<16xi32>
        %add3A_117 = arith.addi %xor3A_111, %add3A_116 : vector<16xi32>
        %select_n3A_118 = arith.select %lt3A_114, %add3A_117, %xor3A_111 : vector<16xi1>, vector<16xi32>
        %broadcast_in_dim3A_119 = vector.shape_cast %select_n3A_118 : vector<16xi32> to vector<16x1xi32>
        %gather3A_120 = vector.shape_cast %broadcast_in_dim3A_119 : vector<16x1xi32> to vector<16xi32>
        %gather3A_121 = tpu.dynamic_gather %min3A_108[%gather3A_120] in [0] : vector<16xf32>, vector<16xi32> -> vector<16xf32>
        %min3A_122 = arith.minimumf %min3A_108, %gather3A_121 : vector<16xf32>
        %xor3A_123 = arith.constant 2 : i32
        %xor3A_124 = vector.broadcast %xor3A_123 : i32 to vector<16xi32>
        %xor3A_125 = arith.xori %iota3A_96, %xor3A_124 : vector<16xi32>
        %lt3A_126 = arith.constant 0 : i32
        %lt3A_127 = vector.broadcast %lt3A_126 : i32 to vector<16xi32>
        %lt3A_128 = arith.cmpi slt, %xor3A_125, %lt3A_127 : vector<16xi32>
        %add3A_129 = arith.constant 16 : i32
        %add3A_130 = vector.broadcast %add3A_129 : i32 to vector<16xi32>
        %add3A_131 = arith.addi %xor3A_125, %add3A_130 : vector<16xi32>
        %select_n3A_132 = arith.select %lt3A_128, %add3A_131, %xor3A_125 : vector<16xi1>, vector<16xi32>
        %broadcast_in_dim3A_133 = vector.shape_cast %select_n3A_132 : vector<16xi32> to vector<16x1xi32>
        %gather3A_134 = vector.shape_cast %broadcast_in_dim3A_133 : vector<16x1xi32> to vector<16xi32>
        %gather3A_135 = tpu.dynamic_gather %min3A_122[%gather3A_134] in [0] : vector<16xf32>, vector<16xi32> -> vector<16xf32>
        %min3A_136 = arith.minimumf %min3A_122, %gather3A_135 : vector<16xf32>
        %xor3A_137 = arith.constant 1 : i32
        %xor3A_138 = vector.broadcast %xor3A_137 : i32 to vector<16xi32>
        %xor3A_139 = arith.xori %iota3A_96, %xor3A_138 : vector<16xi32>
        %lt3A_140 = arith.constant 0 : i32
        %lt3A_141 = vector.broadcast %lt3A_140 : i32 to vector<16xi32>
        %lt3A_142 = arith.cmpi slt, %xor3A_139, %lt3A_141 : vector<16xi32>
        %add3A_143 = arith.constant 16 : i32
        %add3A_144 = vector.broadcast %add3A_143 : i32 to vector<16xi32>
        %add3A_145 = arith.addi %xor3A_139, %add3A_144 : vector<16xi32>
        %select_n3A_146 = arith.select %lt3A_142, %add3A_145, %xor3A_139 : vector<16xi1>, vector<16xi32>
        %broadcast_in_dim3A_147 = vector.shape_cast %select_n3A_146 : vector<16xi32> to vector<16x1xi32>
        %gather3A_148 = vector.shape_cast %broadcast_in_dim3A_147 : vector<16x1xi32> to vector<16xi32>
        %gather3A_149 = tpu.dynamic_gather %min3A_136[%gather3A_148] in [0] : vector<16xf32>, vector<16xi32> -> vector<16xf32>
        %min3A_150 = arith.minimumf %min3A_136, %gather3A_149 : vector<16xf32>
        %broadcast_in_dim3A_151 = arith.constant 1073741824 : i32
        %broadcast_in_dim3A_152 = vector.broadcast %broadcast_in_dim3A_151 : i32 to vector<16xi32>
        %get3A_153 = arith.constant 0 : index
        %get3A_154 = tpu.vector_load %arg5[%get3A_153] {strides = array<i32>} : memref<256xf32, #tpu.memory_space<vmem>>, vector<16xf32>,
        %eq3A_155 = arith.cmpf oeq, %get3A_154, %min3A_150 : vector<16xf32>
        %add3A_156 = arith.constant 0 : i32
        %add3A_157 = vector.broadcast %add3A_156 : i32 to vector<16xi32>
        %add3A_158 = arith.addi %iota3A, %add3A_157 : vector<16xi32>
        %jit3A_159 = arith.constant 1073741824 : i32
        %broadcast_in_dim3A_160 = vector.broadcast %jit3A_159 : i32 to vector<16xi32>
        %select_n3A_161 = arith.select %eq3A_155, %add3A_158, %broadcast_in_dim3A_160 : vector<16xi1>, vector<16xi32>
        %min3A_162 = arith.minsi %broadcast_in_dim3A_152, %select_n3A_161 : vector<16xi32>
        %get3A_163 = arith.constant 16 : index
        %get3A_164 = tpu.vector_load %arg5[%get3A_163] {strides = array<i32>} : memref<256xf32, #tpu.memory_space<vmem>>, vector<16xf32>,
        %eq3A_165 = arith.cmpf oeq, %get3A_164, %min3A_150 : vector<16xf32>
        %add3A_166 = arith.constant 16 : i32
        %add3A_167 = vector.broadcast %add3A_166 : i32 to vector<16xi32>
        %add3A_168 = arith.addi %iota3A, %add3A_167 : vector<16xi32>
        %jit3A_169 = arith.constant 1073741824 : i32
        %broadcast_in_dim3A_170 = vector.broadcast %jit3A_169 : i32 to vector<16xi32>
        %select_n3A_171 = arith.select %eq3A_165, %add3A_168, %broadcast_in_dim3A_170 : vector<16xi1>, vector<16xi32>
        %min3A_172 = arith.minsi %min3A_162, %select_n3A_171 : vector<16xi32>
        %get3A_173 = arith.constant 32 : index
        %get3A_174 = tpu.vector_load %arg5[%get3A_173] {strides = array<i32>} : memref<256xf32, #tpu.memory_space<vmem>>, vector<16xf32>,
        %eq3A_175 = arith.cmpf oeq, %get3A_174, %min3A_150 : vector<16xf32>
        %add3A_176 = arith.constant 32 : i32
        %add3A_177 = vector.broadcast %add3A_176 : i32 to vector<16xi32>
        %add3A_178 = arith.addi %iota3A, %add3A_177 : vector<16xi32>
        %jit3A_179 = arith.constant 1073741824 : i32
        %broadcast_in_dim3A_180 = vector.broadcast %jit3A_179 : i32 to vector<16xi32>
        %select_n3A_181 = arith.select %eq3A_175, %add3A_178, %broadcast_in_dim3A_180 : vector<16xi1>, vector<16xi32>
        %min3A_182 = arith.minsi %min3A_172, %select_n3A_181 : vector<16xi32>
        %get3A_183 = arith.constant 48 : index
        %get3A_184 = tpu.vector_load %arg5[%get3A_183] {strides = array<i32>} : memref<256xf32, #tpu.memory_space<vmem>>, vector<16xf32>,
        %eq3A_185 = arith.cmpf oeq, %get3A_184, %min3A_150 : vector<16xf32>
        %add3A_186 = arith.constant 48 : i32
        %add3A_187 = vector.broadcast %add3A_186 : i32 to vector<16xi32>
        %add3A_188 = arith.addi %iota3A, %add3A_187 : vector<16xi32>
        %jit3A_189 = arith.constant 1073741824 : i32
        %broadcast_in_dim3A_190 = vector.broadcast %jit3A_189 : i32 to vector<16xi32>
        %select_n3A_191 = arith.select %eq3A_185, %add3A_188, %broadcast_in_dim3A_190 : vector<16xi1>, vector<16xi32>
        %min3A_192 = arith.minsi %min3A_182, %select_n3A_191 : vector<16xi32>
        %get3A_193 = arith.constant 64 : index
        %get3A_194 = tpu.vector_load %arg5[%get3A_193] {strides = array<i32>} : memref<256xf32, #tpu.memory_space<vmem>>, vector<16xf32>,
        %eq3A_195 = arith.cmpf oeq, %get3A_194, %min3A_150 : vector<16xf32>
        %add3A_196 = arith.constant 64 : i32
        %add3A_197 = vector.broadcast %add3A_196 : i32 to vector<16xi32>
        %add3A_198 = arith.addi %iota3A, %add3A_197 : vector<16xi32>
        %jit3A_199 = arith.constant 1073741824 : i32
        %broadcast_in_dim3A_200 = vector.broadcast %jit3A_199 : i32 to vector<16xi32>
        %select_n3A_201 = arith.select %eq3A_195, %add3A_198, %broadcast_in_dim3A_200 : vector<16xi1>, vector<16xi32>
        %min3A_202 = arith.minsi %min3A_192, %select_n3A_201 : vector<16xi32>
        %get3A_203 = arith.constant 80 : index
        %get3A_204 = tpu.vector_load %arg5[%get3A_203] {strides = array<i32>} : memref<256xf32, #tpu.memory_space<vmem>>, vector<16xf32>,
        %eq3A_205 = arith.cmpf oeq, %get3A_204, %min3A_150 : vector<16xf32>
        %add3A_206 = arith.constant 80 : i32
        %add3A_207 = vector.broadcast %add3A_206 : i32 to vector<16xi32>
        %add3A_208 = arith.addi %iota3A, %add3A_207 : vector<16xi32>
        %jit3A_209 = arith.constant 1073741824 : i32
        %broadcast_in_dim3A_210 = vector.broadcast %jit3A_209 : i32 to vector<16xi32>
        %select_n3A_211 = arith.select %eq3A_205, %add3A_208, %broadcast_in_dim3A_210 : vector<16xi1>, vector<16xi32>
        %min3A_212 = arith.minsi %min3A_202, %select_n3A_211 : vector<16xi32>
        %get3A_213 = arith.constant 96 : index
        %get3A_214 = tpu.vector_load %arg5[%get3A_213] {strides = array<i32>} : memref<256xf32, #tpu.memory_space<vmem>>, vector<16xf32>,
        %eq3A_215 = arith.cmpf oeq, %get3A_214, %min3A_150 : vector<16xf32>
        %add3A_216 = arith.constant 96 : i32
        %add3A_217 = vector.broadcast %add3A_216 : i32 to vector<16xi32>
        %add3A_218 = arith.addi %iota3A, %add3A_217 : vector<16xi32>
        %jit3A_219 = arith.constant 1073741824 : i32
        %broadcast_in_dim3A_220 = vector.broadcast %jit3A_219 : i32 to vector<16xi32>
        %select_n3A_221 = arith.select %eq3A_215, %add3A_218, %broadcast_in_dim3A_220 : vector<16xi1>, vector<16xi32>
        %min3A_222 = arith.minsi %min3A_212, %select_n3A_221 : vector<16xi32>
        %get3A_223 = arith.constant 112 : index
        %get3A_224 = tpu.vector_load %arg5[%get3A_223] {strides = array<i32>} : memref<256xf32, #tpu.memory_space<vmem>>, vector<16xf32>,
        %eq3A_225 = arith.cmpf oeq, %get3A_224, %min3A_150 : vector<16xf32>
        %add3A_226 = arith.constant 112 : i32
        %add3A_227 = vector.broadcast %add3A_226 : i32 to vector<16xi32>
        %add3A_228 = arith.addi %iota3A, %add3A_227 : vector<16xi32>
        %jit3A_229 = arith.constant 1073741824 : i32
        %broadcast_in_dim3A_230 = vector.broadcast %jit3A_229 : i32 to vector<16xi32>
        %select_n3A_231 = arith.select %eq3A_225, %add3A_228, %broadcast_in_dim3A_230 : vector<16xi1>, vector<16xi32>
        %min3A_232 = arith.minsi %min3A_222, %select_n3A_231 : vector<16xi32>
        %get3A_233 = arith.constant 128 : index
        %get3A_234 = tpu.vector_load %arg5[%get3A_233] {strides = array<i32>} : memref<256xf32, #tpu.memory_space<vmem>>, vector<16xf32>,
        %eq3A_235 = arith.cmpf oeq, %get3A_234, %min3A_150 : vector<16xf32>
        %add3A_236 = arith.constant 128 : i32
        %add3A_237 = vector.broadcast %add3A_236 : i32 to vector<16xi32>
        %add3A_238 = arith.addi %iota3A, %add3A_237 : vector<16xi32>
        %jit3A_239 = arith.constant 1073741824 : i32
        %broadcast_in_dim3A_240 = vector.broadcast %jit3A_239 : i32 to vector<16xi32>
        %select_n3A_241 = arith.select %eq3A_235, %add3A_238, %broadcast_in_dim3A_240 : vector<16xi1>, vector<16xi32>
        %min3A_242 = arith.minsi %min3A_232, %select_n3A_241 : vector<16xi32>
        %get3A_243 = arith.constant 144 : index
        %get3A_244 = tpu.vector_load %arg5[%get3A_243] {strides = array<i32>} : memref<256xf32, #tpu.memory_space<vmem>>, vector<16xf32>,
        %eq3A_245 = arith.cmpf oeq, %get3A_244, %min3A_150 : vector<16xf32>
        %add3A_246 = arith.constant 144 : i32
        %add3A_247 = vector.broadcast %add3A_246 : i32 to vector<16xi32>
        %add3A_248 = arith.addi %iota3A, %add3A_247 : vector<16xi32>
        %jit3A_249 = arith.constant 1073741824 : i32
        %broadcast_in_dim3A_250 = vector.broadcast %jit3A_249 : i32 to vector<16xi32>
        %select_n3A_251 = arith.select %eq3A_245, %add3A_248, %broadcast_in_dim3A_250 : vector<16xi1>, vector<16xi32>
        %min3A_252 = arith.minsi %min3A_242, %select_n3A_251 : vector<16xi32>
        %get3A_253 = arith.constant 160 : index
        %get3A_254 = tpu.vector_load %arg5[%get3A_253] {strides = array<i32>} : memref<256xf32, #tpu.memory_space<vmem>>, vector<16xf32>,
        %eq3A_255 = arith.cmpf oeq, %get3A_254, %min3A_150 : vector<16xf32>
        %add3A_256 = arith.constant 160 : i32
        %add3A_257 = vector.broadcast %add3A_256 : i32 to vector<16xi32>
        %add3A_258 = arith.addi %iota3A, %add3A_257 : vector<16xi32>
        %jit3A_259 = arith.constant 1073741824 : i32
        %broadcast_in_dim3A_260 = vector.broadcast %jit3A_259 : i32 to vector<16xi32>
        %select_n3A_261 = arith.select %eq3A_255, %add3A_258, %broadcast_in_dim3A_260 : vector<16xi1>, vector<16xi32>
        %min3A_262 = arith.minsi %min3A_252, %select_n3A_261 : vector<16xi32>
        %get3A_263 = arith.constant 176 : index
        %get3A_264 = tpu.vector_load %arg5[%get3A_263] {strides = array<i32>} : memref<256xf32, #tpu.memory_space<vmem>>, vector<16xf32>,
        %eq3A_265 = arith.cmpf oeq, %get3A_264, %min3A_150 : vector<16xf32>
        %add3A_266 = arith.constant 176 : i32
        %add3A_267 = vector.broadcast %add3A_266 : i32 to vector<16xi32>
        %add3A_268 = arith.addi %iota3A, %add3A_267 : vector<16xi32>
        %jit3A_269 = arith.constant 1073741824 : i32
        %broadcast_in_dim3A_270 = vector.broadcast %jit3A_269 : i32 to vector<16xi32>
        %select_n3A_271 = arith.select %eq3A_265, %add3A_268, %broadcast_in_dim3A_270 : vector<16xi1>, vector<16xi32>
        %min3A_272 = arith.minsi %min3A_262, %select_n3A_271 : vector<16xi32>
        %get3A_273 = arith.constant 192 : index
        %get3A_274 = tpu.vector_load %arg5[%get3A_273] {strides = array<i32>} : memref<256xf32, #tpu.memory_space<vmem>>, vector<16xf32>,
        %eq3A_275 = arith.cmpf oeq, %get3A_274, %min3A_150 : vector<16xf32>
        %add3A_276 = arith.constant 192 : i32
        %add3A_277 = vector.broadcast %add3A_276 : i32 to vector<16xi32>
        %add3A_278 = arith.addi %iota3A, %add3A_277 : vector<16xi32>
        %jit3A_279 = arith.constant 1073741824 : i32
        %broadcast_in_dim3A_280 = vector.broadcast %jit3A_279 : i32 to vector<16xi32>
        %select_n3A_281 = arith.select %eq3A_275, %add3A_278, %broadcast_in_dim3A_280 : vector<16xi1>, vector<16xi32>
        %min3A_282 = arith.minsi %min3A_272, %select_n3A_281 : vector<16xi32>
        %get3A_283 = arith.constant 208 : index
        %get3A_284 = tpu.vector_load %arg5[%get3A_283] {strides = array<i32>} : memref<256xf32, #tpu.memory_space<vmem>>, vector<16xf32>,
        %eq3A_285 = arith.cmpf oeq, %get3A_284, %min3A_150 : vector<16xf32>
        %add3A_286 = arith.constant 208 : i32
        %add3A_287 = vector.broadcast %add3A_286 : i32 to vector<16xi32>
        %add3A_288 = arith.addi %iota3A, %add3A_287 : vector<16xi32>
        %jit3A_289 = arith.constant 1073741824 : i32
        %broadcast_in_dim3A_290 = vector.broadcast %jit3A_289 : i32 to vector<16xi32>
        %select_n3A_291 = arith.select %eq3A_285, %add3A_288, %broadcast_in_dim3A_290 : vector<16xi1>, vector<16xi32>
        %min3A_292 = arith.minsi %min3A_282, %select_n3A_291 : vector<16xi32>
        %get3A_293 = arith.constant 224 : index
        %get3A_294 = tpu.vector_load %arg5[%get3A_293] {strides = array<i32>} : memref<256xf32, #tpu.memory_space<vmem>>, vector<16xf32>,
        %eq3A_295 = arith.cmpf oeq, %get3A_294, %min3A_150 : vector<16xf32>
        %add3A_296 = arith.constant 224 : i32
        %add3A_297 = vector.broadcast %add3A_296 : i32 to vector<16xi32>
        %add3A_298 = arith.addi %iota3A, %add3A_297 : vector<16xi32>
        %jit3A_299 = arith.constant 1073741824 : i32
        %broadcast_in_dim3A_300 = vector.broadcast %jit3A_299 : i32 to vector<16xi32>
        %select_n3A_301 = arith.select %eq3A_295, %add3A_298, %broadcast_in_dim3A_300 : vector<16xi1>, vector<16xi32>
        %min3A_302 = arith.minsi %min3A_292, %select_n3A_301 : vector<16xi32>
        %get3A_303 = arith.constant 240 : index
        %get3A_304 = tpu.vector_load %arg5[%get3A_303] {strides = array<i32>} : memref<256xf32, #tpu.memory_space<vmem>>, vector<16xf32>,
        %eq3A_305 = arith.cmpf oeq, %get3A_304, %min3A_150 : vector<16xf32>
        %add3A_306 = arith.constant 240 : i32
        %add3A_307 = vector.broadcast %add3A_306 : i32 to vector<16xi32>
        %add3A_308 = arith.addi %iota3A, %add3A_307 : vector<16xi32>
        %jit3A_309 = arith.constant 1073741824 : i32
        %broadcast_in_dim3A_310 = vector.broadcast %jit3A_309 : i32 to vector<16xi32>
        %select_n3A_311 = arith.select %eq3A_305, %add3A_308, %broadcast_in_dim3A_310 : vector<16xi1>, vector<16xi32>
        %min3A_312 = arith.minsi %min3A_302, %select_n3A_311 : vector<16xi32>
        %iota3A_313 = tpu.iota {dimensions = array<i32: 0>} : vector<16xi32>
        %xor3A_314 = arith.constant 8 : i32
        %xor3A_315 = vector.broadcast %xor3A_314 : i32 to vector<16xi32>
        %xor3A_316 = arith.xori %iota3A_313, %xor3A_315 : vector<16xi32>
        %lt3A_317 = arith.constant 0 : i32
        %lt3A_318 = vector.broadcast %lt3A_317 : i32 to vector<16xi32>
        %lt3A_319 = arith.cmpi slt, %xor3A_316, %lt3A_318 : vector<16xi32>
        %add3A_320 = arith.constant 16 : i32
        %add3A_321 = vector.broadcast %add3A_320 : i32 to vector<16xi32>
        %add3A_322 = arith.addi %xor3A_316, %add3A_321 : vector<16xi32>
        %select_n3A_323 = arith.select %lt3A_319, %add3A_322, %xor3A_316 : vector<16xi1>, vector<16xi32>
        %broadcast_in_dim3A_324 = vector.shape_cast %select_n3A_323 : vector<16xi32> to vector<16x1xi32>
        %gather3A_325 = vector.shape_cast %broadcast_in_dim3A_324 : vector<16x1xi32> to vector<16xi32>
        %gather3A_326 = tpu.dynamic_gather %min3A_312[%gather3A_325] in [0] : vector<16xi32>, vector<16xi32> -> vector<16xi32>
        %min3A_327 = arith.minsi %min3A_312, %gather3A_326 : vector<16xi32>
        %xor3A_328 = arith.constant 4 : i32
        %xor3A_329 = vector.broadcast %xor3A_328 : i32 to vector<16xi32>
        %xor3A_330 = arith.xori %iota3A_313, %xor3A_329 : vector<16xi32>
        %lt3A_331 = arith.constant 0 : i32
        %lt3A_332 = vector.broadcast %lt3A_331 : i32 to vector<16xi32>
        %lt3A_333 = arith.cmpi slt, %xor3A_330, %lt3A_332 : vector<16xi32>
        %add3A_334 = arith.constant 16 : i32
        %add3A_335 = vector.broadcast %add3A_334 : i32 to vector<16xi32>
        %add3A_336 = arith.addi %xor3A_330, %add3A_335 : vector<16xi32>
        %select_n3A_337 = arith.select %lt3A_333, %add3A_336, %xor3A_330 : vector<16xi1>, vector<16xi32>
        %broadcast_in_dim3A_338 = vector.shape_cast %select_n3A_337 : vector<16xi32> to vector<16x1xi32>
        %gather3A_339 = vector.shape_cast %broadcast_in_dim3A_338 : vector<16x1xi32> to vector<16xi32>
        %gather3A_340 = tpu.dynamic_gather %min3A_327[%gather3A_339] in [0] : vector<16xi32>, vector<16xi32> -> vector<16xi32>
        %min3A_341 = arith.minsi %min3A_327, %gather3A_340 : vector<16xi32>
        %xor3A_342 = arith.constant 2 : i32
        %xor3A_343 = vector.broadcast %xor3A_342 : i32 to vector<16xi32>
        %xor3A_344 = arith.xori %iota3A_313, %xor3A_343 : vector<16xi32>
        %lt3A_345 = arith.constant 0 : i32
        %lt3A_346 = vector.broadcast %lt3A_345 : i32 to vector<16xi32>
        %lt3A_347 = arith.cmpi slt, %xor3A_344, %lt3A_346 : vector<16xi32>
        %add3A_348 = arith.constant 16 : i32
        %add3A_349 = vector.broadcast %add3A_348 : i32 to vector<16xi32>
        %add3A_350 = arith.addi %xor3A_344, %add3A_349 : vector<16xi32>
        %select_n3A_351 = arith.select %lt3A_347, %add3A_350, %xor3A_344 : vector<16xi1>, vector<16xi32>
        %broadcast_in_dim3A_352 = vector.shape_cast %select_n3A_351 : vector<16xi32> to vector<16x1xi32>
        %gather3A_353 = vector.shape_cast %broadcast_in_dim3A_352 : vector<16x1xi32> to vector<16xi32>
        %gather3A_354 = tpu.dynamic_gather %min3A_341[%gather3A_353] in [0] : vector<16xi32>, vector<16xi32> -> vector<16xi32>
        %min3A_355 = arith.minsi %min3A_341, %gather3A_354 : vector<16xi32>
        %xor3A_356 = arith.constant 1 : i32
        %xor3A_357 = vector.broadcast %xor3A_356 : i32 to vector<16xi32>
        %xor3A_358 = arith.xori %iota3A_313, %xor3A_357 : vector<16xi32>
        %lt3A_359 = arith.constant 0 : i32
        %lt3A_360 = vector.broadcast %lt3A_359 : i32 to vector<16xi32>
        %lt3A_361 = arith.cmpi slt, %xor3A_358, %lt3A_360 : vector<16xi32>
        %add3A_362 = arith.constant 16 : i32
        %add3A_363 = vector.broadcast %add3A_362 : i32 to vector<16xi32>
        %add3A_364 = arith.addi %xor3A_358, %add3A_363 : vector<16xi32>
        %select_n3A_365 = arith.select %lt3A_361, %add3A_364, %xor3A_358 : vector<16xi1>, vector<16xi32>
        %broadcast_in_dim3A_366 = vector.shape_cast %select_n3A_365 : vector<16xi32> to vector<16x1xi32>
        %gather3A_367 = vector.shape_cast %broadcast_in_dim3A_366 : vector<16x1xi32> to vector<16xi32>
        %gather3A_368 = tpu.dynamic_gather %min3A_355[%gather3A_367] in [0] : vector<16xi32>, vector<16xi32> -> vector<16xi32>
        %min3A_369 = arith.minsi %min3A_355, %gather3A_368 : vector<16xi32>
        %broadcast_in_dim3A_370 = arith.constant 3.000000e+38 : f32
        %broadcast_in_dim3A_371 = vector.broadcast %broadcast_in_dim3A_370 : f32 to vector<16xf32>
        %add3A_372 = arith.constant 0 : i32
        %add3A_373 = vector.broadcast %add3A_372 : i32 to vector<16xi32>
        %add3A_374 = arith.addi %iota3A, %add3A_373 : vector<16xi32>
        %mul3A_375 = arith.constant 256 : i32
        %mul3A_376 = vector.broadcast %mul3A_375 : i32 to vector<16xi32>
        %mul3A_377 = arith.muli %min3A_369, %mul3A_376 : vector<16xi32>
        %add3A_378 = arith.addi %mul3A_377, %add3A_374 : vector<16xi32>
        %gather3A_379 = tpu.vector_load_idx %arg4[%add3A_378] : memref<65536xf32, #tpu.memory_space<vmem>>[vector<16xi32>], vector<16xf32>,
        %get3A_380 = arith.constant 0 : index
        %get3A_381 = tpu.vector_load %arg5[%get3A_380] {strides = array<i32>} : memref<256xf32, #tpu.memory_space<vmem>>, vector<16xf32>,
        %min3A_382 = arith.minimumf %get3A_381, %gather3A_379 : vector<16xf32>
        %eq3A_383 = arith.constant 3.000000e+38 : f32
        %eq3A_384 = vector.broadcast %eq3A_383 : f32 to vector<16xf32>
        %eq3A_385 = arith.cmpf oeq, %get3A_381, %eq3A_384 : vector<16xf32>
        %eq3A_386 = arith.cmpi eq, %add3A_374, %min3A_369 : vector<16xi32>
        %or3A = arith.ori %eq3A_385, %eq3A_386 : vector<16xi1>
        %jit3A_387 = arith.constant 3.000000e+38 : f32
        %broadcast_in_dim3A_388 = vector.broadcast %jit3A_387 : f32 to vector<16xf32>
        %select_n3A_389 = arith.select %or3A, %broadcast_in_dim3A_388, %min3A_382 : vector<16xi1>, vector<16xf32>
        %swap3A_390 = arith.constant 0 : index
        %swap3A_391 = tpu.vector_load %arg5[%swap3A_390] {strides = array<i32>} : memref<256xf32, #tpu.memory_space<vmem>>, vector<16xf32>,
        tpu.vector_store %arg5[%swap3A_390], %select_n3A_389 {strides = array<i32>} : memref<256xf32, #tpu.memory_space<vmem>>, vector<16xf32>,
        %min3A_392 = arith.minimumf %broadcast_in_dim3A_371, %select_n3A_389 : vector<16xf32>
        %add3A_393 = arith.constant 16 : i32
        %add3A_394 = vector.broadcast %add3A_393 : i32 to vector<16xi32>
        %add3A_395 = arith.addi %iota3A, %add3A_394 : vector<16xi32>
        %mul3A_396 = arith.constant 256 : i32
        %mul3A_397 = vector.broadcast %mul3A_396 : i32 to vector<16xi32>
        %mul3A_398 = arith.muli %min3A_369, %mul3A_397 : vector<16xi32>
        %add3A_399 = arith.addi %mul3A_398, %add3A_395 : vector<16xi32>
        %gather3A_400 = tpu.vector_load_idx %arg4[%add3A_399] : memref<65536xf32, #tpu.memory_space<vmem>>[vector<16xi32>], vector<16xf32>,
        %get3A_401 = arith.constant 16 : index
        %get3A_402 = tpu.vector_load %arg5[%get3A_401] {strides = array<i32>} : memref<256xf32, #tpu.memory_space<vmem>>, vector<16xf32>,
        %min3A_403 = arith.minimumf %get3A_402, %gather3A_400 : vector<16xf32>
        %eq3A_404 = arith.constant 3.000000e+38 : f32
        %eq3A_405 = vector.broadcast %eq3A_404 : f32 to vector<16xf32>
        %eq3A_406 = arith.cmpf oeq, %get3A_402, %eq3A_405 : vector<16xf32>
        %eq3A_407 = arith.cmpi eq, %add3A_395, %min3A_369 : vector<16xi32>
        %or3A_408 = arith.ori %eq3A_406, %eq3A_407 : vector<16xi1>
        %jit3A_409 = arith.constant 3.000000e+38 : f32
        %broadcast_in_dim3A_410 = vector.broadcast %jit3A_409 : f32 to vector<16xf32>
        %select_n3A_411 = arith.select %or3A_408, %broadcast_in_dim3A_410, %min3A_403 : vector<16xi1>, vector<16xf32>
        %swap3A_412 = arith.constant 16 : index
        %swap3A_413 = tpu.vector_load %arg5[%swap3A_412] {strides = array<i32>} : memref<256xf32, #tpu.memory_space<vmem>>, vector<16xf32>,
        tpu.vector_store %arg5[%swap3A_412], %select_n3A_411 {strides = array<i32>} : memref<256xf32, #tpu.memory_space<vmem>>, vector<16xf32>,
        %min3A_414 = arith.minimumf %min3A_392, %select_n3A_411 : vector<16xf32>
        %add3A_415 = arith.constant 32 : i32
        %add3A_416 = vector.broadcast %add3A_415 : i32 to vector<16xi32>
        %add3A_417 = arith.addi %iota3A, %add3A_416 : vector<16xi32>
        %mul3A_418 = arith.constant 256 : i32
        %mul3A_419 = vector.broadcast %mul3A_418 : i32 to vector<16xi32>
        %mul3A_420 = arith.muli %min3A_369, %mul3A_419 : vector<16xi32>
        %add3A_421 = arith.addi %mul3A_420, %add3A_417 : vector<16xi32>
        %gather3A_422 = tpu.vector_load_idx %arg4[%add3A_421] : memref<65536xf32, #tpu.memory_space<vmem>>[vector<16xi32>], vector<16xf32>,
        %get3A_423 = arith.constant 32 : index
        %get3A_424 = tpu.vector_load %arg5[%get3A_423] {strides = array<i32>} : memref<256xf32, #tpu.memory_space<vmem>>, vector<16xf32>,
        %min3A_425 = arith.minimumf %get3A_424, %gather3A_422 : vector<16xf32>
        %eq3A_426 = arith.constant 3.000000e+38 : f32
        %eq3A_427 = vector.broadcast %eq3A_426 : f32 to vector<16xf32>
        %eq3A_428 = arith.cmpf oeq, %get3A_424, %eq3A_427 : vector<16xf32>
        %eq3A_429 = arith.cmpi eq, %add3A_417, %min3A_369 : vector<16xi32>
        %or3A_430 = arith.ori %eq3A_428, %eq3A_429 : vector<16xi1>
        %jit3A_431 = arith.constant 3.000000e+38 : f32
        %broadcast_in_dim3A_432 = vector.broadcast %jit3A_431 : f32 to vector<16xf32>
        %select_n3A_433 = arith.select %or3A_430, %broadcast_in_dim3A_432, %min3A_425 : vector<16xi1>, vector<16xf32>
        %swap3A_434 = arith.constant 32 : index
        %swap3A_435 = tpu.vector_load %arg5[%swap3A_434] {strides = array<i32>} : memref<256xf32, #tpu.memory_space<vmem>>, vector<16xf32>,
        tpu.vector_store %arg5[%swap3A_434], %select_n3A_433 {strides = array<i32>} : memref<256xf32, #tpu.memory_space<vmem>>, vector<16xf32>,
        %min3A_436 = arith.minimumf %min3A_414, %select_n3A_433 : vector<16xf32>
        %add3A_437 = arith.constant 48 : i32
        %add3A_438 = vector.broadcast %add3A_437 : i32 to vector<16xi32>
        %add3A_439 = arith.addi %iota3A, %add3A_438 : vector<16xi32>
        %mul3A_440 = arith.constant 256 : i32
        %mul3A_441 = vector.broadcast %mul3A_440 : i32 to vector<16xi32>
        %mul3A_442 = arith.muli %min3A_369, %mul3A_441 : vector<16xi32>
        %add3A_443 = arith.addi %mul3A_442, %add3A_439 : vector<16xi32>
        %gather3A_444 = tpu.vector_load_idx %arg4[%add3A_443] : memref<65536xf32, #tpu.memory_space<vmem>>[vector<16xi32>], vector<16xf32>,
        %get3A_445 = arith.constant 48 : index
        %get3A_446 = tpu.vector_load %arg5[%get3A_445] {strides = array<i32>} : memref<256xf32, #tpu.memory_space<vmem>>, vector<16xf32>,
        %min3A_447 = arith.minimumf %get3A_446, %gather3A_444 : vector<16xf32>
        %eq3A_448 = arith.constant 3.000000e+38 : f32
        %eq3A_449 = vector.broadcast %eq3A_448 : f32 to vector<16xf32>
        %eq3A_450 = arith.cmpf oeq, %get3A_446, %eq3A_449 : vector<16xf32>
        %eq3A_451 = arith.cmpi eq, %add3A_439, %min3A_369 : vector<16xi32>
        %or3A_452 = arith.ori %eq3A_450, %eq3A_451 : vector<16xi1>
        %jit3A_453 = arith.constant 3.000000e+38 : f32
        %broadcast_in_dim3A_454 = vector.broadcast %jit3A_453 : f32 to vector<16xf32>
        %select_n3A_455 = arith.select %or3A_452, %broadcast_in_dim3A_454, %min3A_447 : vector<16xi1>, vector<16xf32>
        %swap3A_456 = arith.constant 48 : index
        %swap3A_457 = tpu.vector_load %arg5[%swap3A_456] {strides = array<i32>} : memref<256xf32, #tpu.memory_space<vmem>>, vector<16xf32>,
        tpu.vector_store %arg5[%swap3A_456], %select_n3A_455 {strides = array<i32>} : memref<256xf32, #tpu.memory_space<vmem>>, vector<16xf32>,
        %min3A_458 = arith.minimumf %min3A_436, %select_n3A_455 : vector<16xf32>
        %add3A_459 = arith.constant 64 : i32
        %add3A_460 = vector.broadcast %add3A_459 : i32 to vector<16xi32>
        %add3A_461 = arith.addi %iota3A, %add3A_460 : vector<16xi32>
        %mul3A_462 = arith.constant 256 : i32
        %mul3A_463 = vector.broadcast %mul3A_462 : i32 to vector<16xi32>
        %mul3A_464 = arith.muli %min3A_369, %mul3A_463 : vector<16xi32>
        %add3A_465 = arith.addi %mul3A_464, %add3A_461 : vector<16xi32>
        %gather3A_466 = tpu.vector_load_idx %arg4[%add3A_465] : memref<65536xf32, #tpu.memory_space<vmem>>[vector<16xi32>], vector<16xf32>,
        %get3A_467 = arith.constant 64 : index
        %get3A_468 = tpu.vector_load %arg5[%get3A_467] {strides = array<i32>} : memref<256xf32, #tpu.memory_space<vmem>>, vector<16xf32>,
        %min3A_469 = arith.minimumf %get3A_468, %gather3A_466 : vector<16xf32>
        %eq3A_470 = arith.constant 3.000000e+38 : f32
        %eq3A_471 = vector.broadcast %eq3A_470 : f32 to vector<16xf32>
        %eq3A_472 = arith.cmpf oeq, %get3A_468, %eq3A_471 : vector<16xf32>
        %eq3A_473 = arith.cmpi eq, %add3A_461, %min3A_369 : vector<16xi32>
        %or3A_474 = arith.ori %eq3A_472, %eq3A_473 : vector<16xi1>
        %jit3A_475 = arith.constant 3.000000e+38 : f32
        %broadcast_in_dim3A_476 = vector.broadcast %jit3A_475 : f32 to vector<16xf32>
        %select_n3A_477 = arith.select %or3A_474, %broadcast_in_dim3A_476, %min3A_469 : vector<16xi1>, vector<16xf32>
        %swap3A_478 = arith.constant 64 : index
        %swap3A_479 = tpu.vector_load %arg5[%swap3A_478] {strides = array<i32>} : memref<256xf32, #tpu.memory_space<vmem>>, vector<16xf32>,
        tpu.vector_store %arg5[%swap3A_478], %select_n3A_477 {strides = array<i32>} : memref<256xf32, #tpu.memory_space<vmem>>, vector<16xf32>,
        %min3A_480 = arith.minimumf %min3A_458, %select_n3A_477 : vector<16xf32>
        %add3A_481 = arith.constant 80 : i32
        %add3A_482 = vector.broadcast %add3A_481 : i32 to vector<16xi32>
        %add3A_483 = arith.addi %iota3A, %add3A_482 : vector<16xi32>
        %mul3A_484 = arith.constant 256 : i32
        %mul3A_485 = vector.broadcast %mul3A_484 : i32 to vector<16xi32>
        %mul3A_486 = arith.muli %min3A_369, %mul3A_485 : vector<16xi32>
        %add3A_487 = arith.addi %mul3A_486, %add3A_483 : vector<16xi32>
        %gather3A_488 = tpu.vector_load_idx %arg4[%add3A_487] : memref<65536xf32, #tpu.memory_space<vmem>>[vector<16xi32>], vector<16xf32>,
        %get3A_489 = arith.constant 80 : index
        %get3A_490 = tpu.vector_load %arg5[%get3A_489] {strides = array<i32>} : memref<256xf32, #tpu.memory_space<vmem>>, vector<16xf32>,
        %min3A_491 = arith.minimumf %get3A_490, %gather3A_488 : vector<16xf32>
        %eq3A_492 = arith.constant 3.000000e+38 : f32
        %eq3A_493 = vector.broadcast %eq3A_492 : f32 to vector<16xf32>
        %eq3A_494 = arith.cmpf oeq, %get3A_490, %eq3A_493 : vector<16xf32>
        %eq3A_495 = arith.cmpi eq, %add3A_483, %min3A_369 : vector<16xi32>
        %or3A_496 = arith.ori %eq3A_494, %eq3A_495 : vector<16xi1>
        %jit3A_497 = arith.constant 3.000000e+38 : f32
        %broadcast_in_dim3A_498 = vector.broadcast %jit3A_497 : f32 to vector<16xf32>
        %select_n3A_499 = arith.select %or3A_496, %broadcast_in_dim3A_498, %min3A_491 : vector<16xi1>, vector<16xf32>
        %swap3A_500 = arith.constant 80 : index
        %swap3A_501 = tpu.vector_load %arg5[%swap3A_500] {strides = array<i32>} : memref<256xf32, #tpu.memory_space<vmem>>, vector<16xf32>,
        tpu.vector_store %arg5[%swap3A_500], %select_n3A_499 {strides = array<i32>} : memref<256xf32, #tpu.memory_space<vmem>>, vector<16xf32>,
        %min3A_502 = arith.minimumf %min3A_480, %select_n3A_499 : vector<16xf32>
        %add3A_503 = arith.constant 96 : i32
        %add3A_504 = vector.broadcast %add3A_503 : i32 to vector<16xi32>
        %add3A_505 = arith.addi %iota3A, %add3A_504 : vector<16xi32>
        %mul3A_506 = arith.constant 256 : i32
        %mul3A_507 = vector.broadcast %mul3A_506 : i32 to vector<16xi32>
        %mul3A_508 = arith.muli %min3A_369, %mul3A_507 : vector<16xi32>
        %add3A_509 = arith.addi %mul3A_508, %add3A_505 : vector<16xi32>
        %gather3A_510 = tpu.vector_load_idx %arg4[%add3A_509] : memref<65536xf32, #tpu.memory_space<vmem>>[vector<16xi32>], vector<16xf32>,
        %get3A_511 = arith.constant 96 : index
        %get3A_512 = tpu.vector_load %arg5[%get3A_511] {strides = array<i32>} : memref<256xf32, #tpu.memory_space<vmem>>, vector<16xf32>,
        %min3A_513 = arith.minimumf %get3A_512, %gather3A_510 : vector<16xf32>
        %eq3A_514 = arith.constant 3.000000e+38 : f32
        %eq3A_515 = vector.broadcast %eq3A_514 : f32 to vector<16xf32>
        %eq3A_516 = arith.cmpf oeq, %get3A_512, %eq3A_515 : vector<16xf32>
        %eq3A_517 = arith.cmpi eq, %add3A_505, %min3A_369 : vector<16xi32>
        %or3A_518 = arith.ori %eq3A_516, %eq3A_517 : vector<16xi1>
        %jit3A_519 = arith.constant 3.000000e+38 : f32
        %broadcast_in_dim3A_520 = vector.broadcast %jit3A_519 : f32 to vector<16xf32>
        %select_n3A_521 = arith.select %or3A_518, %broadcast_in_dim3A_520, %min3A_513 : vector<16xi1>, vector<16xf32>
        %swap3A_522 = arith.constant 96 : index
        %swap3A_523 = tpu.vector_load %arg5[%swap3A_522] {strides = array<i32>} : memref<256xf32, #tpu.memory_space<vmem>>, vector<16xf32>,
        tpu.vector_store %arg5[%swap3A_522], %select_n3A_521 {strides = array<i32>} : memref<256xf32, #tpu.memory_space<vmem>>, vector<16xf32>,
        %min3A_524 = arith.minimumf %min3A_502, %select_n3A_521 : vector<16xf32>
        %add3A_525 = arith.constant 112 : i32
        %add3A_526 = vector.broadcast %add3A_525 : i32 to vector<16xi32>
        %add3A_527 = arith.addi %iota3A, %add3A_526 : vector<16xi32>
        %mul3A_528 = arith.constant 256 : i32
        %mul3A_529 = vector.broadcast %mul3A_528 : i32 to vector<16xi32>
        %mul3A_530 = arith.muli %min3A_369, %mul3A_529 : vector<16xi32>
        %add3A_531 = arith.addi %mul3A_530, %add3A_527 : vector<16xi32>
        %gather3A_532 = tpu.vector_load_idx %arg4[%add3A_531] : memref<65536xf32, #tpu.memory_space<vmem>>[vector<16xi32>], vector<16xf32>,
        %get3A_533 = arith.constant 112 : index
        %get3A_534 = tpu.vector_load %arg5[%get3A_533] {strides = array<i32>} : memref<256xf32, #tpu.memory_space<vmem>>, vector<16xf32>,
        %min3A_535 = arith.minimumf %get3A_534, %gather3A_532 : vector<16xf32>
        %eq3A_536 = arith.constant 3.000000e+38 : f32
        %eq3A_537 = vector.broadcast %eq3A_536 : f32 to vector<16xf32>
        %eq3A_538 = arith.cmpf oeq, %get3A_534, %eq3A_537 : vector<16xf32>
        %eq3A_539 = arith.cmpi eq, %add3A_527, %min3A_369 : vector<16xi32>
        %or3A_540 = arith.ori %eq3A_538, %eq3A_539 : vector<16xi1>
        %jit3A_541 = arith.constant 3.000000e+38 : f32
        %broadcast_in_dim3A_542 = vector.broadcast %jit3A_541 : f32 to vector<16xf32>
        %select_n3A_543 = arith.select %or3A_540, %broadcast_in_dim3A_542, %min3A_535 : vector<16xi1>, vector<16xf32>
        %swap3A_544 = arith.constant 112 : index
        %swap3A_545 = tpu.vector_load %arg5[%swap3A_544] {strides = array<i32>} : memref<256xf32, #tpu.memory_space<vmem>>, vector<16xf32>,
        tpu.vector_store %arg5[%swap3A_544], %select_n3A_543 {strides = array<i32>} : memref<256xf32, #tpu.memory_space<vmem>>, vector<16xf32>,
        %min3A_546 = arith.minimumf %min3A_524, %select_n3A_543 : vector<16xf32>
        %add3A_547 = arith.constant 128 : i32
        %add3A_548 = vector.broadcast %add3A_547 : i32 to vector<16xi32>
        %add3A_549 = arith.addi %iota3A, %add3A_548 : vector<16xi32>
        %mul3A_550 = arith.constant 256 : i32
        %mul3A_551 = vector.broadcast %mul3A_550 : i32 to vector<16xi32>
        %mul3A_552 = arith.muli %min3A_369, %mul3A_551 : vector<16xi32>
        %add3A_553 = arith.addi %mul3A_552, %add3A_549 : vector<16xi32>
        %gather3A_554 = tpu.vector_load_idx %arg4[%add3A_553] : memref<65536xf32, #tpu.memory_space<vmem>>[vector<16xi32>], vector<16xf32>,
        %get3A_555 = arith.constant 128 : index
        %get3A_556 = tpu.vector_load %arg5[%get3A_555] {strides = array<i32>} : memref<256xf32, #tpu.memory_space<vmem>>, vector<16xf32>,
        %min3A_557 = arith.minimumf %get3A_556, %gather3A_554 : vector<16xf32>
        %eq3A_558 = arith.constant 3.000000e+38 : f32
        %eq3A_559 = vector.broadcast %eq3A_558 : f32 to vector<16xf32>
        %eq3A_560 = arith.cmpf oeq, %get3A_556, %eq3A_559 : vector<16xf32>
        %eq3A_561 = arith.cmpi eq, %add3A_549, %min3A_369 : vector<16xi32>
        %or3A_562 = arith.ori %eq3A_560, %eq3A_561 : vector<16xi1>
        %jit3A_563 = arith.constant 3.000000e+38 : f32
        %broadcast_in_dim3A_564 = vector.broadcast %jit3A_563 : f32 to vector<16xf32>
        %select_n3A_565 = arith.select %or3A_562, %broadcast_in_dim3A_564, %min3A_557 : vector<16xi1>, vector<16xf32>
        %swap3A_566 = arith.constant 128 : index
        %swap3A_567 = tpu.vector_load %arg5[%swap3A_566] {strides = array<i32>} : memref<256xf32, #tpu.memory_space<vmem>>, vector<16xf32>,
        tpu.vector_store %arg5[%swap3A_566], %select_n3A_565 {strides = array<i32>} : memref<256xf32, #tpu.memory_space<vmem>>, vector<16xf32>,
        %min3A_568 = arith.minimumf %min3A_546, %select_n3A_565 : vector<16xf32>
        %add3A_569 = arith.constant 144 : i32
        %add3A_570 = vector.broadcast %add3A_569 : i32 to vector<16xi32>
        %add3A_571 = arith.addi %iota3A, %add3A_570 : vector<16xi32>
        %mul3A_572 = arith.constant 256 : i32
        %mul3A_573 = vector.broadcast %mul3A_572 : i32 to vector<16xi32>
        %mul3A_574 = arith.muli %min3A_369, %mul3A_573 : vector<16xi32>
        %add3A_575 = arith.addi %mul3A_574, %add3A_571 : vector<16xi32>
        %gather3A_576 = tpu.vector_load_idx %arg4[%add3A_575] : memref<65536xf32, #tpu.memory_space<vmem>>[vector<16xi32>], vector<16xf32>,
        %get3A_577 = arith.constant 144 : index
        %get3A_578 = tpu.vector_load %arg5[%get3A_577] {strides = array<i32>} : memref<256xf32, #tpu.memory_space<vmem>>, vector<16xf32>,
        %min3A_579 = arith.minimumf %get3A_578, %gather3A_576 : vector<16xf32>
        %eq3A_580 = arith.constant 3.000000e+38 : f32
        %eq3A_581 = vector.broadcast %eq3A_580 : f32 to vector<16xf32>
        %eq3A_582 = arith.cmpf oeq, %get3A_578, %eq3A_581 : vector<16xf32>
        %eq3A_583 = arith.cmpi eq, %add3A_571, %min3A_369 : vector<16xi32>
        %or3A_584 = arith.ori %eq3A_582, %eq3A_583 : vector<16xi1>
        %jit3A_585 = arith.constant 3.000000e+38 : f32
        %broadcast_in_dim3A_586 = vector.broadcast %jit3A_585 : f32 to vector<16xf32>
        %select_n3A_587 = arith.select %or3A_584, %broadcast_in_dim3A_586, %min3A_579 : vector<16xi1>, vector<16xf32>
        %swap3A_588 = arith.constant 144 : index
        %swap3A_589 = tpu.vector_load %arg5[%swap3A_588] {strides = array<i32>} : memref<256xf32, #tpu.memory_space<vmem>>, vector<16xf32>,
        tpu.vector_store %arg5[%swap3A_588], %select_n3A_587 {strides = array<i32>} : memref<256xf32, #tpu.memory_space<vmem>>, vector<16xf32>,
        %min3A_590 = arith.minimumf %min3A_568, %select_n3A_587 : vector<16xf32>
        %add3A_591 = arith.constant 160 : i32
        %add3A_592 = vector.broadcast %add3A_591 : i32 to vector<16xi32>
        %add3A_593 = arith.addi %iota3A, %add3A_592 : vector<16xi32>
        %mul3A_594 = arith.constant 256 : i32
        %mul3A_595 = vector.broadcast %mul3A_594 : i32 to vector<16xi32>
        %mul3A_596 = arith.muli %min3A_369, %mul3A_595 : vector<16xi32>
        %add3A_597 = arith.addi %mul3A_596, %add3A_593 : vector<16xi32>
        %gather3A_598 = tpu.vector_load_idx %arg4[%add3A_597] : memref<65536xf32, #tpu.memory_space<vmem>>[vector<16xi32>], vector<16xf32>,
        %get3A_599 = arith.constant 160 : index
        %get3A_600 = tpu.vector_load %arg5[%get3A_599] {strides = array<i32>} : memref<256xf32, #tpu.memory_space<vmem>>, vector<16xf32>,
        %min3A_601 = arith.minimumf %get3A_600, %gather3A_598 : vector<16xf32>
        %eq3A_602 = arith.constant 3.000000e+38 : f32
        %eq3A_603 = vector.broadcast %eq3A_602 : f32 to vector<16xf32>
        %eq3A_604 = arith.cmpf oeq, %get3A_600, %eq3A_603 : vector<16xf32>
        %eq3A_605 = arith.cmpi eq, %add3A_593, %min3A_369 : vector<16xi32>
        %or3A_606 = arith.ori %eq3A_604, %eq3A_605 : vector<16xi1>
        %jit3A_607 = arith.constant 3.000000e+38 : f32
        %broadcast_in_dim3A_608 = vector.broadcast %jit3A_607 : f32 to vector<16xf32>
        %select_n3A_609 = arith.select %or3A_606, %broadcast_in_dim3A_608, %min3A_601 : vector<16xi1>, vector<16xf32>
        %swap3A_610 = arith.constant 160 : index
        %swap3A_611 = tpu.vector_load %arg5[%swap3A_610] {strides = array<i32>} : memref<256xf32, #tpu.memory_space<vmem>>, vector<16xf32>,
        tpu.vector_store %arg5[%swap3A_610], %select_n3A_609 {strides = array<i32>} : memref<256xf32, #tpu.memory_space<vmem>>, vector<16xf32>,
        %min3A_612 = arith.minimumf %min3A_590, %select_n3A_609 : vector<16xf32>
        %add3A_613 = arith.constant 176 : i32
        %add3A_614 = vector.broadcast %add3A_613 : i32 to vector<16xi32>
        %add3A_615 = arith.addi %iota3A, %add3A_614 : vector<16xi32>
        %mul3A_616 = arith.constant 256 : i32
        %mul3A_617 = vector.broadcast %mul3A_616 : i32 to vector<16xi32>
        %mul3A_618 = arith.muli %min3A_369, %mul3A_617 : vector<16xi32>
        %add3A_619 = arith.addi %mul3A_618, %add3A_615 : vector<16xi32>
        %gather3A_620 = tpu.vector_load_idx %arg4[%add3A_619] : memref<65536xf32, #tpu.memory_space<vmem>>[vector<16xi32>], vector<16xf32>,
        %get3A_621 = arith.constant 176 : index
        %get3A_622 = tpu.vector_load %arg5[%get3A_621] {strides = array<i32>} : memref<256xf32, #tpu.memory_space<vmem>>, vector<16xf32>,
        %min3A_623 = arith.minimumf %get3A_622, %gather3A_620 : vector<16xf32>
        %eq3A_624 = arith.constant 3.000000e+38 : f32
        %eq3A_625 = vector.broadcast %eq3A_624 : f32 to vector<16xf32>
        %eq3A_626 = arith.cmpf oeq, %get3A_622, %eq3A_625 : vector<16xf32>
        %eq3A_627 = arith.cmpi eq, %add3A_615, %min3A_369 : vector<16xi32>
        %or3A_628 = arith.ori %eq3A_626, %eq3A_627 : vector<16xi1>
        %jit3A_629 = arith.constant 3.000000e+38 : f32
        %broadcast_in_dim3A_630 = vector.broadcast %jit3A_629 : f32 to vector<16xf32>
        %select_n3A_631 = arith.select %or3A_628, %broadcast_in_dim3A_630, %min3A_623 : vector<16xi1>, vector<16xf32>
        %swap3A_632 = arith.constant 176 : index
        %swap3A_633 = tpu.vector_load %arg5[%swap3A_632] {strides = array<i32>} : memref<256xf32, #tpu.memory_space<vmem>>, vector<16xf32>,
        tpu.vector_store %arg5[%swap3A_632], %select_n3A_631 {strides = array<i32>} : memref<256xf32, #tpu.memory_space<vmem>>, vector<16xf32>,
        %min3A_634 = arith.minimumf %min3A_612, %select_n3A_631 : vector<16xf32>
        %add3A_635 = arith.constant 192 : i32
        %add3A_636 = vector.broadcast %add3A_635 : i32 to vector<16xi32>
        %add3A_637 = arith.addi %iota3A, %add3A_636 : vector<16xi32>
        %mul3A_638 = arith.constant 256 : i32
        %mul3A_639 = vector.broadcast %mul3A_638 : i32 to vector<16xi32>
        %mul3A_640 = arith.muli %min3A_369, %mul3A_639 : vector<16xi32>
        %add3A_641 = arith.addi %mul3A_640, %add3A_637 : vector<16xi32>
        %gather3A_642 = tpu.vector_load_idx %arg4[%add3A_641] : memref<65536xf32, #tpu.memory_space<vmem>>[vector<16xi32>], vector<16xf32>,
        %get3A_643 = arith.constant 192 : index
        %get3A_644 = tpu.vector_load %arg5[%get3A_643] {strides = array<i32>} : memref<256xf32, #tpu.memory_space<vmem>>, vector<16xf32>,
        %min3A_645 = arith.minimumf %get3A_644, %gather3A_642 : vector<16xf32>
        %eq3A_646 = arith.constant 3.000000e+38 : f32
        %eq3A_647 = vector.broadcast %eq3A_646 : f32 to vector<16xf32>
        %eq3A_648 = arith.cmpf oeq, %get3A_644, %eq3A_647 : vector<16xf32>
        %eq3A_649 = arith.cmpi eq, %add3A_637, %min3A_369 : vector<16xi32>
        %or3A_650 = arith.ori %eq3A_648, %eq3A_649 : vector<16xi1>
        %jit3A_651 = arith.constant 3.000000e+38 : f32
        %broadcast_in_dim3A_652 = vector.broadcast %jit3A_651 : f32 to vector<16xf32>
        %select_n3A_653 = arith.select %or3A_650, %broadcast_in_dim3A_652, %min3A_645 : vector<16xi1>, vector<16xf32>
        %swap3A_654 = arith.constant 192 : index
        %swap3A_655 = tpu.vector_load %arg5[%swap3A_654] {strides = array<i32>} : memref<256xf32, #tpu.memory_space<vmem>>, vector<16xf32>,
        tpu.vector_store %arg5[%swap3A_654], %select_n3A_653 {strides = array<i32>} : memref<256xf32, #tpu.memory_space<vmem>>, vector<16xf32>,
        %min3A_656 = arith.minimumf %min3A_634, %select_n3A_653 : vector<16xf32>
        %add3A_657 = arith.constant 208 : i32
        %add3A_658 = vector.broadcast %add3A_657 : i32 to vector<16xi32>
        %add3A_659 = arith.addi %iota3A, %add3A_658 : vector<16xi32>
        %mul3A_660 = arith.constant 256 : i32
        %mul3A_661 = vector.broadcast %mul3A_660 : i32 to vector<16xi32>
        %mul3A_662 = arith.muli %min3A_369, %mul3A_661 : vector<16xi32>
        %add3A_663 = arith.addi %mul3A_662, %add3A_659 : vector<16xi32>
        %gather3A_664 = tpu.vector_load_idx %arg4[%add3A_663] : memref<65536xf32, #tpu.memory_space<vmem>>[vector<16xi32>], vector<16xf32>,
        %get3A_665 = arith.constant 208 : index
        %get3A_666 = tpu.vector_load %arg5[%get3A_665] {strides = array<i32>} : memref<256xf32, #tpu.memory_space<vmem>>, vector<16xf32>,
        %min3A_667 = arith.minimumf %get3A_666, %gather3A_664 : vector<16xf32>
        %eq3A_668 = arith.constant 3.000000e+38 : f32
        %eq3A_669 = vector.broadcast %eq3A_668 : f32 to vector<16xf32>
        %eq3A_670 = arith.cmpf oeq, %get3A_666, %eq3A_669 : vector<16xf32>
        %eq3A_671 = arith.cmpi eq, %add3A_659, %min3A_369 : vector<16xi32>
        %or3A_672 = arith.ori %eq3A_670, %eq3A_671 : vector<16xi1>
        %jit3A_673 = arith.constant 3.000000e+38 : f32
        %broadcast_in_dim3A_674 = vector.broadcast %jit3A_673 : f32 to vector<16xf32>
        %select_n3A_675 = arith.select %or3A_672, %broadcast_in_dim3A_674, %min3A_667 : vector<16xi1>, vector<16xf32>
        %swap3A_676 = arith.constant 208 : index
        %swap3A_677 = tpu.vector_load %arg5[%swap3A_676] {strides = array<i32>} : memref<256xf32, #tpu.memory_space<vmem>>, vector<16xf32>,
        tpu.vector_store %arg5[%swap3A_676], %select_n3A_675 {strides = array<i32>} : memref<256xf32, #tpu.memory_space<vmem>>, vector<16xf32>,
        %min3A_678 = arith.minimumf %min3A_656, %select_n3A_675 : vector<16xf32>
        %add3A_679 = arith.constant 224 : i32
        %add3A_680 = vector.broadcast %add3A_679 : i32 to vector<16xi32>
        %add3A_681 = arith.addi %iota3A, %add3A_680 : vector<16xi32>
        %mul3A_682 = arith.constant 256 : i32
        %mul3A_683 = vector.broadcast %mul3A_682 : i32 to vector<16xi32>
        %mul3A_684 = arith.muli %min3A_369, %mul3A_683 : vector<16xi32>
        %add3A_685 = arith.addi %mul3A_684, %add3A_681 : vector<16xi32>
        %gather3A_686 = tpu.vector_load_idx %arg4[%add3A_685] : memref<65536xf32, #tpu.memory_space<vmem>>[vector<16xi32>], vector<16xf32>,
        %get3A_687 = arith.constant 224 : index
        %get3A_688 = tpu.vector_load %arg5[%get3A_687] {strides = array<i32>} : memref<256xf32, #tpu.memory_space<vmem>>, vector<16xf32>,
        %min3A_689 = arith.minimumf %get3A_688, %gather3A_686 : vector<16xf32>
        %eq3A_690 = arith.constant 3.000000e+38 : f32
        %eq3A_691 = vector.broadcast %eq3A_690 : f32 to vector<16xf32>
        %eq3A_692 = arith.cmpf oeq, %get3A_688, %eq3A_691 : vector<16xf32>
        %eq3A_693 = arith.cmpi eq, %add3A_681, %min3A_369 : vector<16xi32>
        %or3A_694 = arith.ori %eq3A_692, %eq3A_693 : vector<16xi1>
        %jit3A_695 = arith.constant 3.000000e+38 : f32
        %broadcast_in_dim3A_696 = vector.broadcast %jit3A_695 : f32 to vector<16xf32>
        %select_n3A_697 = arith.select %or3A_694, %broadcast_in_dim3A_696, %min3A_689 : vector<16xi1>, vector<16xf32>
        %swap3A_698 = arith.constant 224 : index
        %swap3A_699 = tpu.vector_load %arg5[%swap3A_698] {strides = array<i32>} : memref<256xf32, #tpu.memory_space<vmem>>, vector<16xf32>,
        tpu.vector_store %arg5[%swap3A_698], %select_n3A_697 {strides = array<i32>} : memref<256xf32, #tpu.memory_space<vmem>>, vector<16xf32>,
        %min3A_700 = arith.minimumf %min3A_678, %select_n3A_697 : vector<16xf32>
        %add3A_701 = arith.constant 240 : i32
        %add3A_702 = vector.broadcast %add3A_701 : i32 to vector<16xi32>
        %add3A_703 = arith.addi %iota3A, %add3A_702 : vector<16xi32>
        %mul3A_704 = arith.constant 256 : i32
        %mul3A_705 = vector.broadcast %mul3A_704 : i32 to vector<16xi32>
        %mul3A_706 = arith.muli %min3A_369, %mul3A_705 : vector<16xi32>
        %add3A_707 = arith.addi %mul3A_706, %add3A_703 : vector<16xi32>
        %gather3A_708 = tpu.vector_load_idx %arg4[%add3A_707] : memref<65536xf32, #tpu.memory_space<vmem>>[vector<16xi32>], vector<16xf32>,
        %get3A_709 = arith.constant 240 : index
        %get3A_710 = tpu.vector_load %arg5[%get3A_709] {strides = array<i32>} : memref<256xf32, #tpu.memory_space<vmem>>, vector<16xf32>,
        %min3A_711 = arith.minimumf %get3A_710, %gather3A_708 : vector<16xf32>
        %eq3A_712 = arith.constant 3.000000e+38 : f32
        %eq3A_713 = vector.broadcast %eq3A_712 : f32 to vector<16xf32>
        %eq3A_714 = arith.cmpf oeq, %get3A_710, %eq3A_713 : vector<16xf32>
        %eq3A_715 = arith.cmpi eq, %add3A_703, %min3A_369 : vector<16xi32>
        %or3A_716 = arith.ori %eq3A_714, %eq3A_715 : vector<16xi1>
        %jit3A_717 = arith.constant 3.000000e+38 : f32
        %broadcast_in_dim3A_718 = vector.broadcast %jit3A_717 : f32 to vector<16xf32>
        %select_n3A_719 = arith.select %or3A_716, %broadcast_in_dim3A_718, %min3A_711 : vector<16xi1>, vector<16xf32>
        %swap3A_720 = arith.constant 240 : index
        %swap3A_721 = tpu.vector_load %arg5[%swap3A_720] {strides = array<i32>} : memref<256xf32, #tpu.memory_space<vmem>>, vector<16xf32>,
        tpu.vector_store %arg5[%swap3A_720], %select_n3A_719 {strides = array<i32>} : memref<256xf32, #tpu.memory_space<vmem>>, vector<16xf32>,
        %min3A_722 = arith.minimumf %min3A_700, %select_n3A_719 : vector<16xf32>
        %add3A_723 = arith.addf %scan3A_94, %min3A_150 : vector<16xf32>
        scf.yield %add3A_723, %min3A_722 : vector<16xf32>, vector<16xf32>
      }
      %scan3A_90 = arith.constant 255 : i32
      %swap3A_91 = arith.constant 0 : index
      %swap3A_92 = tpu.vector_load %arg6[%swap3A_91] {strides = array<i32>} : memref<16xf32, #tpu.memory_space<vmem>>, vector<16xf32>,
      tpu.vector_store %arg6[%swap3A_91], %scan3A_89#0 {strides = array<i32>} : memref<16xf32, #tpu.memory_space<vmem>>, vector<16xf32>,
      "tpu.region"() ({
        %run_scoped3A = tpu.sem_alloc : memref<!tpu.dma_semaphore, #tpu.memory_space<semaphore_mem>>
        %dma_start3A = arith.constant 0 : i32
        %dma_start3A_93 = tpu.memref_slice %arg3[%add3A, %dma_start3A] : memref<8x16xf32, #tpu.memory_space<hbm>> -> memref<1x16xf32, #tpu.memory_space<hbm>>
        %dma_start3A_94 = tpu.memref_squeeze %dma_start3A_93 : memref<1x16xf32, #tpu.memory_space<hbm>> -> memref<16xf32, #tpu.memory_space<hbm>>
        %dma_start3A_95 = arith.constant 0 : i32
        %dma_start3A_96 = tpu.memref_slice %arg3[%add3A, %dma_start3A_95] : memref<8x16xf32, #tpu.memory_space<hbm>> -> memref<1x16xf32, #tpu.memory_space<hbm>>
        %dma_start3A_97 = tpu.memref_squeeze %dma_start3A_96 : memref<1x16xf32, #tpu.memory_space<hbm>> -> memref<16xf32, #tpu.memory_space<hbm>>
        tpu.enqueue_dma source(%arg6 : memref<16xf32, #tpu.memory_space<vmem>>) target(%dma_start3A_97 : memref<16xf32, #tpu.memory_space<hbm>>) target_semaphore(%run_scoped3A : memref<!tpu.dma_semaphore, #tpu.memory_space<semaphore_mem>>)
        %dma_wait3A = arith.constant 0 : i32
        %dma_wait3A_98 = tpu.memref_slice %arg3[%add3A, %dma_wait3A] : memref<8x16xf32, #tpu.memory_space<hbm>> -> memref<1x16xf32, #tpu.memory_space<hbm>>
        %dma_wait3A_99 = tpu.memref_squeeze %dma_wait3A_98 : memref<1x16xf32, #tpu.memory_space<hbm>> -> memref<16xf32, #tpu.memory_space<hbm>>
        %dma_wait3A_100 = arith.constant 0 : i32
        %dma_wait3A_101 = tpu.memref_slice %arg3[%add3A, %dma_wait3A_100] : memref<8x16xf32, #tpu.memory_space<hbm>> -> memref<1x16xf32, #tpu.memory_space<hbm>>
        %dma_wait3A_102 = tpu.memref_squeeze %dma_wait3A_101 : memref<1x16xf32, #tpu.memory_space<hbm>> -> memref<16xf32, #tpu.memory_space<hbm>>
        tpu.wait_dma2 semaphore(%run_scoped3A : memref<!tpu.dma_semaphore, #tpu.memory_space<semaphore_mem>>) src(%arg6 : memref<16xf32, #tpu.memory_space<vmem>>) dst(%dma_wait3A_102 : memref<16xf32, #tpu.memory_space<hbm>>)
        tpu.yield
      }) : () -> ()
    } else {
    }
    return
  }
}

module attributes {stable_mosaic.version = 14 : i64} {
  func.func @_build_kernel(%arg0: memref<4x2x256x256xf32, #tpu.memory_space<vmem>>, %arg1: memref<4x256xi32, #tpu.memory_space<vmem>>, %arg2: memref<4x256xi32, #tpu.memory_space<vmem>>, %arg3: memref<4x256x256xf32, #tpu.memory_space<vmem>>, %arg4: memref<8x256x256xf32, #tpu.memory_space<vmem>>, %arg5: memref<1x1xf32, #tpu.memory_space<smem>>) attributes {dimension_semantics = [], scalar_prefetch = 0 : i64, scratch_operands = 0 : i64, tpu.core_type = #tpu.core_type<tc>} {
    %get3A = arith.constant 0 : index
    %get3A_0 = arith.constant 0 : index
    %get3A_1 = arith.constant 0 : index
    %get3A_2 = vector.load %arg3[%get3A, %get3A_0, %get3A_1] : memref<4x256x256xf32, #tpu.memory_space<vmem>>, vector<4x256x256xf32>
    %reduce_max3A = vector.shape_cast %get3A_2 : vector<4x256x256xf32> to vector<1x4x256x256xf32>
    %reduce_max3A_3 = arith.constant dense<0xFF800000> : vector<1xf32>
    %reduce_max3A_4 = vector.multi_reduction <maximumf>, %reduce_max3A, %reduce_max3A_3 [1, 2, 3] : vector<1x4x256x256xf32> to vector<1xf32>
    %reduce_max3A_5 = vector.shape_cast %reduce_max3A_4 : vector<1xf32> to vector<1x1x1x1xf32>
    %reduce_max3A_6 = vector.extract %reduce_max3A_5[0, 0, 0, 0] : f32 from vector<1x1x1x1xf32>
    %mul3A = arith.constant 1.000000e+01 : f32
    %mul3A_7 = arith.mulf %mul3A, %reduce_max3A_6 : f32
    %iota3A = tpu.iota {dimensions = array<i32: 0>} : vector<256x256xi32>
    %iota3A_8 = tpu.iota {dimensions = array<i32: 1>} : vector<256x256xi32>
    %eq3A = arith.cmpi eq, %iota3A, %iota3A_8 : vector<256x256xi32>
    %slice3A = vector.extract_strided_slice %get3A_2 {offsets = [0, 0, 0], sizes = [1, 256, 256], strides = [1, 1, 1]} : vector<4x256x256xf32> to vector<1x256x256xf32>
    %squeeze3A = vector.shape_cast %slice3A : vector<1x256x256xf32> to vector<256x256xf32>
    %transpose3A = tpu.transpose %squeeze3A, [1, 0] : vector<256x256xf32> -> vector<256x256xf32>
    %get3A_9 = arith.constant 0 : index
    %get3A_10 = arith.constant 0 : index
    %get3A_11 = vector.load %arg1[%get3A_9, %get3A_10] : memref<4x256xi32, #tpu.memory_space<vmem>>, vector<1x256xi32>
    %get3A_12 = vector.shape_cast %get3A_11 : vector<1x256xi32> to vector<256xi32>
    %reshape3A = vector.shape_cast %get3A_12 : vector<256xi32> to vector<1x256xi32>
    %get3A_13 = arith.constant 0 : index
    %get3A_14 = arith.constant 0 : index
    %get3A_15 = vector.load %arg2[%get3A_13, %get3A_14] : memref<4x256xi32, #tpu.memory_space<vmem>>, vector<1x256xi32>
    %get3A_16 = vector.shape_cast %get3A_15 : vector<1x256xi32> to vector<256xi32>
    %reshape3A_17 = vector.shape_cast %get3A_16 : vector<256xi32> to vector<1x256xi32>
    %eq3A_18 = vector.broadcast %reshape3A : vector<1x256xi32> to vector<256x256xi32>
    %eq3A_19 = arith.cmpi eq, %iota3A, %eq3A_18 : vector<256x256xi32>
    %convert_element_type3A = arith.extui %eq3A_19 : vector<256x256xi1> to vector<256x256xi32>
    %convert_element_type3A_20 = arith.sitofp %convert_element_type3A : vector<256x256xi32> to vector<256x256xf32>
    %eq3A_21 = vector.broadcast %reshape3A_17 : vector<1x256xi32> to vector<256x256xi32>
    %eq3A_22 = arith.cmpi eq, %iota3A, %eq3A_21 : vector<256x256xi32>
    %convert_element_type3A_23 = arith.extui %eq3A_22 : vector<256x256xi1> to vector<256x256xi32>
    %convert_element_type3A_24 = arith.sitofp %convert_element_type3A_23 : vector<256x256xi32> to vector<256x256xf32>
    %dot_general3A = arith.constant dense<0.000000e+00> : vector<256x256xf32>
    %dot_general3A_25 = tpu.matmul %convert_element_type3A_20, %convert_element_type3A_24, %dot_general3A {dimension_numbers = #tpu.dot_dimension_numbers<[1], [1], [0], [0], [0, 0, 1, 0], [], []>, transpose_lhs_hint = false} : vector<256x256xf32>, vector<256x256xf32>, vector<256x256xf32> -> vector<256x256xf32>
    %dot_general3A_26 = arith.constant dense<0.000000e+00> : vector<256x256xf32>
    %dot_general3A_27 = tpu.matmul %convert_element_type3A_24, %convert_element_type3A_20, %dot_general3A_26 {dimension_numbers = #tpu.dot_dimension_numbers<[1], [1], [0], [0], [0, 0, 1, 0], [], []>, transpose_lhs_hint = false} : vector<256x256xf32>, vector<256x256xf32>, vector<256x256xf32> -> vector<256x256xf32>
    %gt3A = arith.constant 5.000000e-01 : f32
    %gt3A_28 = vector.broadcast %gt3A : f32 to vector<256x256xf32>
    %gt3A_29 = arith.cmpf ogt, %dot_general3A_27, %gt3A_28 : vector<256x256xf32>
    %gt3A_30 = arith.constant 5.000000e-01 : f32
    %gt3A_31 = vector.broadcast %gt3A_30 : f32 to vector<256x256xf32>
    %gt3A_32 = arith.cmpf ogt, %dot_general3A_25, %gt3A_31 : vector<256x256xf32>
    %broadcast_in_dim3A = vector.broadcast %mul3A_7 : f32 to vector<256x256xf32>
    %select_n3A = arith.select %gt3A_32, %squeeze3A, %broadcast_in_dim3A : vector<256x256xi1>, vector<256x256xf32>
    %select_n3A_33 = arith.select %gt3A_29, %transpose3A, %select_n3A : vector<256x256xi1>, vector<256x256xf32>
    %jit3A = arith.constant 0.000000e+00 : f32
    %broadcast_in_dim3A_34 = vector.broadcast %jit3A : f32 to vector<256x256xf32>
    %select_n3A_35 = arith.select %eq3A, %broadcast_in_dim3A_34, %select_n3A_33 : vector<256x256xi1>, vector<256x256xf32>
    %get3A_36 = arith.constant 0 : index
    %get3A_37 = arith.constant 0 : index
    %get3A_38 = arith.constant 0 : index
    %get3A_39 = arith.constant 0 : index
    %get3A_40 = vector.load %arg0[%get3A_36, %get3A_37, %get3A_38, %get3A_39] : memref<4x2x256x256xf32, #tpu.memory_space<vmem>>, vector<1x1x256x256xf32>
    %get3A_41 = vector.shape_cast %get3A_40 : vector<1x1x256x256xf32> to vector<256x256xf32>
    %get3A_42 = arith.constant 0 : index
    %get3A_43 = arith.constant 1 : index
    %get3A_44 = arith.constant 0 : index
    %get3A_45 = arith.constant 0 : index
    %get3A_46 = vector.load %arg0[%get3A_42, %get3A_43, %get3A_44, %get3A_45] : memref<4x2x256x256xf32, #tpu.memory_space<vmem>>, vector<1x1x256x256xf32>
    %get3A_47 = vector.shape_cast %get3A_46 : vector<1x1x256x256xf32> to vector<256x256xf32>
    %sub3A = arith.subf %get3A_41, %get3A_47 : vector<256x256xf32>
    %exp3A = math.exp %sub3A : vector<256x256xf32>
    %add3A = arith.constant 1.000000e+00 : f32
    %add3A_48 = vector.broadcast %add3A : f32 to vector<256x256xf32>
    %add3A_49 = arith.addf %add3A_48, %exp3A : vector<256x256xf32>
    %div3A = arith.constant 1.000000e+00 : f32
    %div3A_50 = vector.broadcast %div3A : f32 to vector<256x256xf32>
    %div3A_51 = arith.divf %div3A_50, %add3A_49 : vector<256x256xf32>
    %sub3A_52 = arith.constant 1.000000e+00 : f32
    %sub3A_53 = vector.broadcast %sub3A_52 : f32 to vector<256x256xf32>
    %sub3A_54 = arith.subf %sub3A_53, %div3A_51 : vector<256x256xf32>
    %mul3A_55 = vector.broadcast %mul3A_7 : f32 to vector<256x256xf32>
    %mul3A_56 = arith.mulf %sub3A_54, %mul3A_55 : vector<256x256xf32>
    %mul3A_57 = arith.mulf %div3A_51, %squeeze3A : vector<256x256xf32>
    %add3A_58 = arith.addf %mul3A_56, %mul3A_57 : vector<256x256xf32>
    %swap3A = arith.constant 0 : index
    %swap3A_59 = arith.constant 0 : index
    %swap3A_60 = arith.constant 0 : index
    %swap3A_61 = vector.load %arg4[%swap3A, %swap3A_59, %swap3A_60] : memref<8x256x256xf32, #tpu.memory_space<vmem>>, vector<1x256x256xf32>
    %swap3A_62 = vector.shape_cast %swap3A_61 : vector<1x256x256xf32> to vector<256x256xf32>
    %swap3A_63 = vector.shape_cast %select_n3A_35 : vector<256x256xf32> to vector<1x256x256xf32>
    tpu.vector_store %arg4[%swap3A, %swap3A_59, %swap3A_60], %swap3A_63 {strides = array<i32>} : memref<8x256x256xf32, #tpu.memory_space<vmem>>, vector<1x256x256xf32>,
    %min3A = arith.minimumf %select_n3A_35, %add3A_58 : vector<256x256xf32>
    %swap3A_64 = arith.constant 4 : index
    %swap3A_65 = arith.constant 0 : index
    %swap3A_66 = arith.constant 0 : index
    %swap3A_67 = vector.load %arg4[%swap3A_64, %swap3A_65, %swap3A_66] : memref<8x256x256xf32, #tpu.memory_space<vmem>>, vector<1x256x256xf32>
    %swap3A_68 = vector.shape_cast %swap3A_67 : vector<1x256x256xf32> to vector<256x256xf32>
    %swap3A_69 = vector.shape_cast %min3A : vector<256x256xf32> to vector<1x256x256xf32>
    tpu.vector_store %arg4[%swap3A_64, %swap3A_65, %swap3A_66], %swap3A_69 {strides = array<i32>} : memref<8x256x256xf32, #tpu.memory_space<vmem>>, vector<1x256x256xf32>,
    %sub3A_70 = arith.subf %select_n3A_35, %add3A_58 : vector<256x256xf32>
    %abs3A = math.absf %sub3A_70 : vector<256x256xf32>
    %reduce_sum3A = vector.shape_cast %abs3A : vector<256x256xf32> to vector<1x256x256xf32>
    %reduce_sum3A_71 = arith.constant dense<0.000000e+00> : vector<1xf32>
    %reduce_sum3A_72 = vector.multi_reduction <add>, %reduce_sum3A, %reduce_sum3A_71 [1, 2] : vector<1x256x256xf32> to vector<1xf32>
    %reduce_sum3A_73 = vector.shape_cast %reduce_sum3A_72 : vector<1xf32> to vector<1x1x1xf32>
    %reduce_sum3A_74 = vector.extract %reduce_sum3A_73[0, 0, 0] : f32 from vector<1x1x1xf32>
    %add3A_75 = arith.constant 0.000000e+00 : f32
    %add3A_76 = arith.addf %add3A_75, %reduce_sum3A_74 : f32
    %slice3A_77 = vector.extract_strided_slice %get3A_2 {offsets = [1, 0, 0], sizes = [1, 256, 256], strides = [1, 1, 1]} : vector<4x256x256xf32> to vector<1x256x256xf32>
    %squeeze3A_78 = vector.shape_cast %slice3A_77 : vector<1x256x256xf32> to vector<256x256xf32>
    %transpose3A_79 = tpu.transpose %squeeze3A_78, [1, 0] : vector<256x256xf32> -> vector<256x256xf32>
    %get3A_80 = arith.constant 1 : index
    %get3A_81 = arith.constant 0 : index
    %get3A_82 = vector.load %arg1[%get3A_80, %get3A_81] : memref<4x256xi32, #tpu.memory_space<vmem>>, vector<1x256xi32>
    %get3A_83 = vector.shape_cast %get3A_82 : vector<1x256xi32> to vector<256xi32>
    %reshape3A_84 = vector.shape_cast %get3A_83 : vector<256xi32> to vector<1x256xi32>
    %get3A_85 = arith.constant 1 : index
    %get3A_86 = arith.constant 0 : index
    %get3A_87 = vector.load %arg2[%get3A_85, %get3A_86] : memref<4x256xi32, #tpu.memory_space<vmem>>, vector<1x256xi32>
    %get3A_88 = vector.shape_cast %get3A_87 : vector<1x256xi32> to vector<256xi32>
    %reshape3A_89 = vector.shape_cast %get3A_88 : vector<256xi32> to vector<1x256xi32>
    %eq3A_90 = vector.broadcast %reshape3A_84 : vector<1x256xi32> to vector<256x256xi32>
    %eq3A_91 = arith.cmpi eq, %iota3A, %eq3A_90 : vector<256x256xi32>
    %convert_element_type3A_92 = arith.extui %eq3A_91 : vector<256x256xi1> to vector<256x256xi32>
    %convert_element_type3A_93 = arith.sitofp %convert_element_type3A_92 : vector<256x256xi32> to vector<256x256xf32>
    %eq3A_94 = vector.broadcast %reshape3A_89 : vector<1x256xi32> to vector<256x256xi32>
    %eq3A_95 = arith.cmpi eq, %iota3A, %eq3A_94 : vector<256x256xi32>
    %convert_element_type3A_96 = arith.extui %eq3A_95 : vector<256x256xi1> to vector<256x256xi32>
    %convert_element_type3A_97 = arith.sitofp %convert_element_type3A_96 : vector<256x256xi32> to vector<256x256xf32>
    %dot_general3A_98 = arith.constant dense<0.000000e+00> : vector<256x256xf32>
    %dot_general3A_99 = tpu.matmul %convert_element_type3A_93, %convert_element_type3A_97, %dot_general3A_98 {dimension_numbers = #tpu.dot_dimension_numbers<[1], [1], [0], [0], [0, 0, 1, 0], [], []>, transpose_lhs_hint = false} : vector<256x256xf32>, vector<256x256xf32>, vector<256x256xf32> -> vector<256x256xf32>
    %dot_general3A_100 = arith.constant dense<0.000000e+00> : vector<256x256xf32>
    %dot_general3A_101 = tpu.matmul %convert_element_type3A_97, %convert_element_type3A_93, %dot_general3A_100 {dimension_numbers = #tpu.dot_dimension_numbers<[1], [1], [0], [0], [0, 0, 1, 0], [], []>, transpose_lhs_hint = false} : vector<256x256xf32>, vector<256x256xf32>, vector<256x256xf32> -> vector<256x256xf32>
    %gt3A_102 = arith.constant 5.000000e-01 : f32
    %gt3A_103 = vector.broadcast %gt3A_102 : f32 to vector<256x256xf32>
    %gt3A_104 = arith.cmpf ogt, %dot_general3A_101, %gt3A_103 : vector<256x256xf32>
    %gt3A_105 = arith.constant 5.000000e-01 : f32
    %gt3A_106 = vector.broadcast %gt3A_105 : f32 to vector<256x256xf32>
    %gt3A_107 = arith.cmpf ogt, %dot_general3A_99, %gt3A_106 : vector<256x256xf32>
    %broadcast_in_dim3A_108 = vector.broadcast %mul3A_7 : f32 to vector<256x256xf32>
    %select_n3A_109 = arith.select %gt3A_107, %squeeze3A_78, %broadcast_in_dim3A_108 : vector<256x256xi1>, vector<256x256xf32>
    %select_n3A_110 = arith.select %gt3A_104, %transpose3A_79, %select_n3A_109 : vector<256x256xi1>, vector<256x256xf32>
    %jit3A_111 = arith.constant 0.000000e+00 : f32
    %broadcast_in_dim3A_112 = vector.broadcast %jit3A_111 : f32 to vector<256x256xf32>
    %select_n3A_113 = arith.select %eq3A, %broadcast_in_dim3A_112, %select_n3A_110 : vector<256x256xi1>, vector<256x256xf32>
    %get3A_114 = arith.constant 1 : index
    %get3A_115 = arith.constant 0 : index
    %get3A_116 = arith.constant 0 : index
    %get3A_117 = arith.constant 0 : index
    %get3A_118 = vector.load %arg0[%get3A_114, %get3A_115, %get3A_116, %get3A_117] : memref<4x2x256x256xf32, #tpu.memory_space<vmem>>, vector<1x1x256x256xf32>
    %get3A_119 = vector.shape_cast %get3A_118 : vector<1x1x256x256xf32> to vector<256x256xf32>
    %get3A_120 = arith.constant 1 : index
    %get3A_121 = arith.constant 1 : index
    %get3A_122 = arith.constant 0 : index
    %get3A_123 = arith.constant 0 : index
    %get3A_124 = vector.load %arg0[%get3A_120, %get3A_121, %get3A_122, %get3A_123] : memref<4x2x256x256xf32, #tpu.memory_space<vmem>>, vector<1x1x256x256xf32>
    %get3A_125 = vector.shape_cast %get3A_124 : vector<1x1x256x256xf32> to vector<256x256xf32>
    %sub3A_126 = arith.subf %get3A_119, %get3A_125 : vector<256x256xf32>
    %exp3A_127 = math.exp %sub3A_126 : vector<256x256xf32>
    %add3A_128 = arith.constant 1.000000e+00 : f32
    %add3A_129 = vector.broadcast %add3A_128 : f32 to vector<256x256xf32>
    %add3A_130 = arith.addf %add3A_129, %exp3A_127 : vector<256x256xf32>
    %div3A_131 = arith.constant 1.000000e+00 : f32
    %div3A_132 = vector.broadcast %div3A_131 : f32 to vector<256x256xf32>
    %div3A_133 = arith.divf %div3A_132, %add3A_130 : vector<256x256xf32>
    %sub3A_134 = arith.constant 1.000000e+00 : f32
    %sub3A_135 = vector.broadcast %sub3A_134 : f32 to vector<256x256xf32>
    %sub3A_136 = arith.subf %sub3A_135, %div3A_133 : vector<256x256xf32>
    %mul3A_137 = vector.broadcast %mul3A_7 : f32 to vector<256x256xf32>
    %mul3A_138 = arith.mulf %sub3A_136, %mul3A_137 : vector<256x256xf32>
    %mul3A_139 = arith.mulf %div3A_133, %squeeze3A_78 : vector<256x256xf32>
    %add3A_140 = arith.addf %mul3A_138, %mul3A_139 : vector<256x256xf32>
    %swap3A_141 = arith.constant 1 : index
    %swap3A_142 = arith.constant 0 : index
    %swap3A_143 = arith.constant 0 : index
    %swap3A_144 = vector.load %arg4[%swap3A_141, %swap3A_142, %swap3A_143] : memref<8x256x256xf32, #tpu.memory_space<vmem>>, vector<1x256x256xf32>
    %swap3A_145 = vector.shape_cast %swap3A_144 : vector<1x256x256xf32> to vector<256x256xf32>
    %swap3A_146 = vector.shape_cast %select_n3A_113 : vector<256x256xf32> to vector<1x256x256xf32>
    tpu.vector_store %arg4[%swap3A_141, %swap3A_142, %swap3A_143], %swap3A_146 {strides = array<i32>} : memref<8x256x256xf32, #tpu.memory_space<vmem>>, vector<1x256x256xf32>,
    %min3A_147 = arith.minimumf %select_n3A_113, %add3A_140 : vector<256x256xf32>
    %swap3A_148 = arith.constant 5 : index
    %swap3A_149 = arith.constant 0 : index
    %swap3A_150 = arith.constant 0 : index
    %swap3A_151 = vector.load %arg4[%swap3A_148, %swap3A_149, %swap3A_150] : memref<8x256x256xf32, #tpu.memory_space<vmem>>, vector<1x256x256xf32>
    %swap3A_152 = vector.shape_cast %swap3A_151 : vector<1x256x256xf32> to vector<256x256xf32>
    %swap3A_153 = vector.shape_cast %min3A_147 : vector<256x256xf32> to vector<1x256x256xf32>
    tpu.vector_store %arg4[%swap3A_148, %swap3A_149, %swap3A_150], %swap3A_153 {strides = array<i32>} : memref<8x256x256xf32, #tpu.memory_space<vmem>>, vector<1x256x256xf32>,
    %sub3A_154 = arith.subf %select_n3A_113, %add3A_140 : vector<256x256xf32>
    %abs3A_155 = math.absf %sub3A_154 : vector<256x256xf32>
    %reduce_sum3A_156 = vector.shape_cast %abs3A_155 : vector<256x256xf32> to vector<1x256x256xf32>
    %reduce_sum3A_157 = arith.constant dense<0.000000e+00> : vector<1xf32>
    %reduce_sum3A_158 = vector.multi_reduction <add>, %reduce_sum3A_156, %reduce_sum3A_157 [1, 2] : vector<1x256x256xf32> to vector<1xf32>
    %reduce_sum3A_159 = vector.shape_cast %reduce_sum3A_158 : vector<1xf32> to vector<1x1x1xf32>
    %reduce_sum3A_160 = vector.extract %reduce_sum3A_159[0, 0, 0] : f32 from vector<1x1x1xf32>
    %add3A_161 = arith.addf %add3A_76, %reduce_sum3A_160 : f32
    %slice3A_162 = vector.extract_strided_slice %get3A_2 {offsets = [2, 0, 0], sizes = [1, 256, 256], strides = [1, 1, 1]} : vector<4x256x256xf32> to vector<1x256x256xf32>
    %squeeze3A_163 = vector.shape_cast %slice3A_162 : vector<1x256x256xf32> to vector<256x256xf32>
    %transpose3A_164 = tpu.transpose %squeeze3A_163, [1, 0] : vector<256x256xf32> -> vector<256x256xf32>
    %get3A_165 = arith.constant 2 : index
    %get3A_166 = arith.constant 0 : index
    %get3A_167 = vector.load %arg1[%get3A_165, %get3A_166] : memref<4x256xi32, #tpu.memory_space<vmem>>, vector<1x256xi32>
    %get3A_168 = vector.shape_cast %get3A_167 : vector<1x256xi32> to vector<256xi32>
    %reshape3A_169 = vector.shape_cast %get3A_168 : vector<256xi32> to vector<1x256xi32>
    %get3A_170 = arith.constant 2 : index
    %get3A_171 = arith.constant 0 : index
    %get3A_172 = vector.load %arg2[%get3A_170, %get3A_171] : memref<4x256xi32, #tpu.memory_space<vmem>>, vector<1x256xi32>
    %get3A_173 = vector.shape_cast %get3A_172 : vector<1x256xi32> to vector<256xi32>
    %reshape3A_174 = vector.shape_cast %get3A_173 : vector<256xi32> to vector<1x256xi32>
    %eq3A_175 = vector.broadcast %reshape3A_169 : vector<1x256xi32> to vector<256x256xi32>
    %eq3A_176 = arith.cmpi eq, %iota3A, %eq3A_175 : vector<256x256xi32>
    %convert_element_type3A_177 = arith.extui %eq3A_176 : vector<256x256xi1> to vector<256x256xi32>
    %convert_element_type3A_178 = arith.sitofp %convert_element_type3A_177 : vector<256x256xi32> to vector<256x256xf32>
    %eq3A_179 = vector.broadcast %reshape3A_174 : vector<1x256xi32> to vector<256x256xi32>
    %eq3A_180 = arith.cmpi eq, %iota3A, %eq3A_179 : vector<256x256xi32>
    %convert_element_type3A_181 = arith.extui %eq3A_180 : vector<256x256xi1> to vector<256x256xi32>
    %convert_element_type3A_182 = arith.sitofp %convert_element_type3A_181 : vector<256x256xi32> to vector<256x256xf32>
    %dot_general3A_183 = arith.constant dense<0.000000e+00> : vector<256x256xf32>
    %dot_general3A_184 = tpu.matmul %convert_element_type3A_178, %convert_element_type3A_182, %dot_general3A_183 {dimension_numbers = #tpu.dot_dimension_numbers<[1], [1], [0], [0], [0, 0, 1, 0], [], []>, transpose_lhs_hint = false} : vector<256x256xf32>, vector<256x256xf32>, vector<256x256xf32> -> vector<256x256xf32>
    %dot_general3A_185 = arith.constant dense<0.000000e+00> : vector<256x256xf32>
    %dot_general3A_186 = tpu.matmul %convert_element_type3A_182, %convert_element_type3A_178, %dot_general3A_185 {dimension_numbers = #tpu.dot_dimension_numbers<[1], [1], [0], [0], [0, 0, 1, 0], [], []>, transpose_lhs_hint = false} : vector<256x256xf32>, vector<256x256xf32>, vector<256x256xf32> -> vector<256x256xf32>
    %gt3A_187 = arith.constant 5.000000e-01 : f32
    %gt3A_188 = vector.broadcast %gt3A_187 : f32 to vector<256x256xf32>
    %gt3A_189 = arith.cmpf ogt, %dot_general3A_186, %gt3A_188 : vector<256x256xf32>
    %gt3A_190 = arith.constant 5.000000e-01 : f32
    %gt3A_191 = vector.broadcast %gt3A_190 : f32 to vector<256x256xf32>
    %gt3A_192 = arith.cmpf ogt, %dot_general3A_184, %gt3A_191 : vector<256x256xf32>
    %broadcast_in_dim3A_193 = vector.broadcast %mul3A_7 : f32 to vector<256x256xf32>
    %select_n3A_194 = arith.select %gt3A_192, %squeeze3A_163, %broadcast_in_dim3A_193 : vector<256x256xi1>, vector<256x256xf32>
    %select_n3A_195 = arith.select %gt3A_189, %transpose3A_164, %select_n3A_194 : vector<256x256xi1>, vector<256x256xf32>
    %jit3A_196 = arith.constant 0.000000e+00 : f32
    %broadcast_in_dim3A_197 = vector.broadcast %jit3A_196 : f32 to vector<256x256xf32>
    %select_n3A_198 = arith.select %eq3A, %broadcast_in_dim3A_197, %select_n3A_195 : vector<256x256xi1>, vector<256x256xf32>
    %get3A_199 = arith.constant 2 : index
    %get3A_200 = arith.constant 0 : index
    %get3A_201 = arith.constant 0 : index
    %get3A_202 = arith.constant 0 : index
    %get3A_203 = vector.load %arg0[%get3A_199, %get3A_200, %get3A_201, %get3A_202] : memref<4x2x256x256xf32, #tpu.memory_space<vmem>>, vector<1x1x256x256xf32>
    %get3A_204 = vector.shape_cast %get3A_203 : vector<1x1x256x256xf32> to vector<256x256xf32>
    %get3A_205 = arith.constant 2 : index
    %get3A_206 = arith.constant 1 : index
    %get3A_207 = arith.constant 0 : index
    %get3A_208 = arith.constant 0 : index
    %get3A_209 = vector.load %arg0[%get3A_205, %get3A_206, %get3A_207, %get3A_208] : memref<4x2x256x256xf32, #tpu.memory_space<vmem>>, vector<1x1x256x256xf32>
    %get3A_210 = vector.shape_cast %get3A_209 : vector<1x1x256x256xf32> to vector<256x256xf32>
    %sub3A_211 = arith.subf %get3A_204, %get3A_210 : vector<256x256xf32>
    %exp3A_212 = math.exp %sub3A_211 : vector<256x256xf32>
    %add3A_213 = arith.constant 1.000000e+00 : f32
    %add3A_214 = vector.broadcast %add3A_213 : f32 to vector<256x256xf32>
    %add3A_215 = arith.addf %add3A_214, %exp3A_212 : vector<256x256xf32>
    %div3A_216 = arith.constant 1.000000e+00 : f32
    %div3A_217 = vector.broadcast %div3A_216 : f32 to vector<256x256xf32>
    %div3A_218 = arith.divf %div3A_217, %add3A_215 : vector<256x256xf32>
    %sub3A_219 = arith.constant 1.000000e+00 : f32
    %sub3A_220 = vector.broadcast %sub3A_219 : f32 to vector<256x256xf32>
    %sub3A_221 = arith.subf %sub3A_220, %div3A_218 : vector<256x256xf32>
    %mul3A_222 = vector.broadcast %mul3A_7 : f32 to vector<256x256xf32>
    %mul3A_223 = arith.mulf %sub3A_221, %mul3A_222 : vector<256x256xf32>
    %mul3A_224 = arith.mulf %div3A_218, %squeeze3A_163 : vector<256x256xf32>
    %add3A_225 = arith.addf %mul3A_223, %mul3A_224 : vector<256x256xf32>
    %swap3A_226 = arith.constant 2 : index
    %swap3A_227 = arith.constant 0 : index
    %swap3A_228 = arith.constant 0 : index
    %swap3A_229 = vector.load %arg4[%swap3A_226, %swap3A_227, %swap3A_228] : memref<8x256x256xf32, #tpu.memory_space<vmem>>, vector<1x256x256xf32>
    %swap3A_230 = vector.shape_cast %swap3A_229 : vector<1x256x256xf32> to vector<256x256xf32>
    %swap3A_231 = vector.shape_cast %select_n3A_198 : vector<256x256xf32> to vector<1x256x256xf32>
    tpu.vector_store %arg4[%swap3A_226, %swap3A_227, %swap3A_228], %swap3A_231 {strides = array<i32>} : memref<8x256x256xf32, #tpu.memory_space<vmem>>, vector<1x256x256xf32>,
    %min3A_232 = arith.minimumf %select_n3A_198, %add3A_225 : vector<256x256xf32>
    %swap3A_233 = arith.constant 6 : index
    %swap3A_234 = arith.constant 0 : index
    %swap3A_235 = arith.constant 0 : index
    %swap3A_236 = vector.load %arg4[%swap3A_233, %swap3A_234, %swap3A_235] : memref<8x256x256xf32, #tpu.memory_space<vmem>>, vector<1x256x256xf32>
    %swap3A_237 = vector.shape_cast %swap3A_236 : vector<1x256x256xf32> to vector<256x256xf32>
    %swap3A_238 = vector.shape_cast %min3A_232 : vector<256x256xf32> to vector<1x256x256xf32>
    tpu.vector_store %arg4[%swap3A_233, %swap3A_234, %swap3A_235], %swap3A_238 {strides = array<i32>} : memref<8x256x256xf32, #tpu.memory_space<vmem>>, vector<1x256x256xf32>,
    %sub3A_239 = arith.subf %select_n3A_198, %add3A_225 : vector<256x256xf32>
    %abs3A_240 = math.absf %sub3A_239 : vector<256x256xf32>
    %reduce_sum3A_241 = vector.shape_cast %abs3A_240 : vector<256x256xf32> to vector<1x256x256xf32>
    %reduce_sum3A_242 = arith.constant dense<0.000000e+00> : vector<1xf32>
    %reduce_sum3A_243 = vector.multi_reduction <add>, %reduce_sum3A_241, %reduce_sum3A_242 [1, 2] : vector<1x256x256xf32> to vector<1xf32>
    %reduce_sum3A_244 = vector.shape_cast %reduce_sum3A_243 : vector<1xf32> to vector<1x1x1xf32>
    %reduce_sum3A_245 = vector.extract %reduce_sum3A_244[0, 0, 0] : f32 from vector<1x1x1xf32>
    %add3A_246 = arith.addf %add3A_161, %reduce_sum3A_245 : f32
    %slice3A_247 = vector.extract_strided_slice %get3A_2 {offsets = [3, 0, 0], sizes = [1, 256, 256], strides = [1, 1, 1]} : vector<4x256x256xf32> to vector<1x256x256xf32>
    %squeeze3A_248 = vector.shape_cast %slice3A_247 : vector<1x256x256xf32> to vector<256x256xf32>
    %transpose3A_249 = tpu.transpose %squeeze3A_248, [1, 0] : vector<256x256xf32> -> vector<256x256xf32>
    %get3A_250 = arith.constant 3 : index
    %get3A_251 = arith.constant 0 : index
    %get3A_252 = vector.load %arg1[%get3A_250, %get3A_251] : memref<4x256xi32, #tpu.memory_space<vmem>>, vector<1x256xi32>
    %get3A_253 = vector.shape_cast %get3A_252 : vector<1x256xi32> to vector<256xi32>
    %reshape3A_254 = vector.shape_cast %get3A_253 : vector<256xi32> to vector<1x256xi32>
    %get3A_255 = arith.constant 3 : index
    %get3A_256 = arith.constant 0 : index
    %get3A_257 = vector.load %arg2[%get3A_255, %get3A_256] : memref<4x256xi32, #tpu.memory_space<vmem>>, vector<1x256xi32>
    %get3A_258 = vector.shape_cast %get3A_257 : vector<1x256xi32> to vector<256xi32>
    %reshape3A_259 = vector.shape_cast %get3A_258 : vector<256xi32> to vector<1x256xi32>
    %eq3A_260 = vector.broadcast %reshape3A_254 : vector<1x256xi32> to vector<256x256xi32>
    %eq3A_261 = arith.cmpi eq, %iota3A, %eq3A_260 : vector<256x256xi32>
    %convert_element_type3A_262 = arith.extui %eq3A_261 : vector<256x256xi1> to vector<256x256xi32>
    %convert_element_type3A_263 = arith.sitofp %convert_element_type3A_262 : vector<256x256xi32> to vector<256x256xf32>
    %eq3A_264 = vector.broadcast %reshape3A_259 : vector<1x256xi32> to vector<256x256xi32>
    %eq3A_265 = arith.cmpi eq, %iota3A, %eq3A_264 : vector<256x256xi32>
    %convert_element_type3A_266 = arith.extui %eq3A_265 : vector<256x256xi1> to vector<256x256xi32>
    %convert_element_type3A_267 = arith.sitofp %convert_element_type3A_266 : vector<256x256xi32> to vector<256x256xf32>
    %dot_general3A_268 = arith.constant dense<0.000000e+00> : vector<256x256xf32>
    %dot_general3A_269 = tpu.matmul %convert_element_type3A_263, %convert_element_type3A_267, %dot_general3A_268 {dimension_numbers = #tpu.dot_dimension_numbers<[1], [1], [0], [0], [0, 0, 1, 0], [], []>, transpose_lhs_hint = false} : vector<256x256xf32>, vector<256x256xf32>, vector<256x256xf32> -> vector<256x256xf32>
    %dot_general3A_270 = arith.constant dense<0.000000e+00> : vector<256x256xf32>
    %dot_general3A_271 = tpu.matmul %convert_element_type3A_267, %convert_element_type3A_263, %dot_general3A_270 {dimension_numbers = #tpu.dot_dimension_numbers<[1], [1], [0], [0], [0, 0, 1, 0], [], []>, transpose_lhs_hint = false} : vector<256x256xf32>, vector<256x256xf32>, vector<256x256xf32> -> vector<256x256xf32>
    %gt3A_272 = arith.constant 5.000000e-01 : f32
    %gt3A_273 = vector.broadcast %gt3A_272 : f32 to vector<256x256xf32>
    %gt3A_274 = arith.cmpf ogt, %dot_general3A_271, %gt3A_273 : vector<256x256xf32>
    %gt3A_275 = arith.constant 5.000000e-01 : f32
    %gt3A_276 = vector.broadcast %gt3A_275 : f32 to vector<256x256xf32>
    %gt3A_277 = arith.cmpf ogt, %dot_general3A_269, %gt3A_276 : vector<256x256xf32>
    %broadcast_in_dim3A_278 = vector.broadcast %mul3A_7 : f32 to vector<256x256xf32>
    %select_n3A_279 = arith.select %gt3A_277, %squeeze3A_248, %broadcast_in_dim3A_278 : vector<256x256xi1>, vector<256x256xf32>
    %select_n3A_280 = arith.select %gt3A_274, %transpose3A_249, %select_n3A_279 : vector<256x256xi1>, vector<256x256xf32>
    %jit3A_281 = arith.constant 0.000000e+00 : f32
    %broadcast_in_dim3A_282 = vector.broadcast %jit3A_281 : f32 to vector<256x256xf32>
    %select_n3A_283 = arith.select %eq3A, %broadcast_in_dim3A_282, %select_n3A_280 : vector<256x256xi1>, vector<256x256xf32>
    %get3A_284 = arith.constant 3 : index
    %get3A_285 = arith.constant 0 : index
    %get3A_286 = arith.constant 0 : index
    %get3A_287 = arith.constant 0 : index
    %get3A_288 = vector.load %arg0[%get3A_284, %get3A_285, %get3A_286, %get3A_287] : memref<4x2x256x256xf32, #tpu.memory_space<vmem>>, vector<1x1x256x256xf32>
    %get3A_289 = vector.shape_cast %get3A_288 : vector<1x1x256x256xf32> to vector<256x256xf32>
    %get3A_290 = arith.constant 3 : index
    %get3A_291 = arith.constant 1 : index
    %get3A_292 = arith.constant 0 : index
    %get3A_293 = arith.constant 0 : index
    %get3A_294 = vector.load %arg0[%get3A_290, %get3A_291, %get3A_292, %get3A_293] : memref<4x2x256x256xf32, #tpu.memory_space<vmem>>, vector<1x1x256x256xf32>
    %get3A_295 = vector.shape_cast %get3A_294 : vector<1x1x256x256xf32> to vector<256x256xf32>
    %sub3A_296 = arith.subf %get3A_289, %get3A_295 : vector<256x256xf32>
    %exp3A_297 = math.exp %sub3A_296 : vector<256x256xf32>
    %add3A_298 = arith.constant 1.000000e+00 : f32
    %add3A_299 = vector.broadcast %add3A_298 : f32 to vector<256x256xf32>
    %add3A_300 = arith.addf %add3A_299, %exp3A_297 : vector<256x256xf32>
    %div3A_301 = arith.constant 1.000000e+00 : f32
    %div3A_302 = vector.broadcast %div3A_301 : f32 to vector<256x256xf32>
    %div3A_303 = arith.divf %div3A_302, %add3A_300 : vector<256x256xf32>
    %sub3A_304 = arith.constant 1.000000e+00 : f32
    %sub3A_305 = vector.broadcast %sub3A_304 : f32 to vector<256x256xf32>
    %sub3A_306 = arith.subf %sub3A_305, %div3A_303 : vector<256x256xf32>
    %mul3A_307 = vector.broadcast %mul3A_7 : f32 to vector<256x256xf32>
    %mul3A_308 = arith.mulf %sub3A_306, %mul3A_307 : vector<256x256xf32>
    %mul3A_309 = arith.mulf %div3A_303, %squeeze3A_248 : vector<256x256xf32>
    %add3A_310 = arith.addf %mul3A_308, %mul3A_309 : vector<256x256xf32>
    %swap3A_311 = arith.constant 3 : index
    %swap3A_312 = arith.constant 0 : index
    %swap3A_313 = arith.constant 0 : index
    %swap3A_314 = vector.load %arg4[%swap3A_311, %swap3A_312, %swap3A_313] : memref<8x256x256xf32, #tpu.memory_space<vmem>>, vector<1x256x256xf32>
    %swap3A_315 = vector.shape_cast %swap3A_314 : vector<1x256x256xf32> to vector<256x256xf32>
    %swap3A_316 = vector.shape_cast %select_n3A_283 : vector<256x256xf32> to vector<1x256x256xf32>
    tpu.vector_store %arg4[%swap3A_311, %swap3A_312, %swap3A_313], %swap3A_316 {strides = array<i32>} : memref<8x256x256xf32, #tpu.memory_space<vmem>>, vector<1x256x256xf32>,
    %min3A_317 = arith.minimumf %select_n3A_283, %add3A_310 : vector<256x256xf32>
    %swap3A_318 = arith.constant 7 : index
    %swap3A_319 = arith.constant 0 : index
    %swap3A_320 = arith.constant 0 : index
    %swap3A_321 = vector.load %arg4[%swap3A_318, %swap3A_319, %swap3A_320] : memref<8x256x256xf32, #tpu.memory_space<vmem>>, vector<1x256x256xf32>
    %swap3A_322 = vector.shape_cast %swap3A_321 : vector<1x256x256xf32> to vector<256x256xf32>
    %swap3A_323 = vector.shape_cast %min3A_317 : vector<256x256xf32> to vector<1x256x256xf32>
    tpu.vector_store %arg4[%swap3A_318, %swap3A_319, %swap3A_320], %swap3A_323 {strides = array<i32>} : memref<8x256x256xf32, #tpu.memory_space<vmem>>, vector<1x256x256xf32>,
    %sub3A_324 = arith.subf %select_n3A_283, %add3A_310 : vector<256x256xf32>
    %abs3A_325 = math.absf %sub3A_324 : vector<256x256xf32>
    %reduce_sum3A_326 = vector.shape_cast %abs3A_325 : vector<256x256xf32> to vector<1x256x256xf32>
    %reduce_sum3A_327 = arith.constant dense<0.000000e+00> : vector<1xf32>
    %reduce_sum3A_328 = vector.multi_reduction <add>, %reduce_sum3A_326, %reduce_sum3A_327 [1, 2] : vector<1x256x256xf32> to vector<1xf32>
    %reduce_sum3A_329 = vector.shape_cast %reduce_sum3A_328 : vector<1xf32> to vector<1x1x1xf32>
    %reduce_sum3A_330 = vector.extract %reduce_sum3A_329[0, 0, 0] : f32 from vector<1x1x1xf32>
    %add3A_331 = arith.addf %add3A_246, %reduce_sum3A_330 : f32
    %div3A_332 = arith.constant 2.621440e+05 : f32
    %div3A_333 = arith.divf %add3A_331, %div3A_332 : f32
    %swap3A_334 = arith.constant 0 : index
    %swap3A_335 = arith.constant 0 : index
    %swap3A_336 = memref.load %arg5[%swap3A_334, %swap3A_335] : memref<1x1xf32, #tpu.memory_space<smem>>
    memref.store %div3A_333, %arg5[%swap3A_334, %swap3A_335] : memref<1x1xf32, #tpu.memory_space<smem>>
    return
  }
}

</mosaic_0001>

<sc_bundles>
// kernel: kernel.4.cloned.1.call-start
scs
__scs_entry_jumppad:
0x0: {  	(pc) =	sbr.rel $0x88, $3  }
0x1: {  	(tag) =	ssettag $0x0;
	lr =	simm.s32 $0x1  }
0x2: {  	[smem:$0x3F9E] =	sst lr;
	_ =	strace $0xD0000000  }
0x3: {  	_ = 	snop  }
0x4: {  	_ = 	snop  }
0x5: {  	_ = 	snop  }
0x6: {  	_ = 	snop  }
0x7: {  	_ = 	snop  }
__scs_overlays_trampoline_lowered:
0x8: {  	[smem:$0x3FAD] =	sst s0  }
0x9: {  	[smem:$0x3FAE] =	sst s1  }
0xa: {  	[smem:$0x3FAF] =	sst s2  }
0xb: {  	[smem:$0x3FB0] =	sst s3  }
0xc: {  	[smem:$0x3FB1] =	sst s4  }
0xd: {  	[smem:$0x3FB2] =	sst s5  }
0xe: {  	[smem:$0x3FB3] =	sst s6  }
0xf: {  	[smem:$0x3FB4] =	sst s7  }
0x10: {  	[smem:$0x3FB5] =	sst s8  }
0x11: {  	[smem:$0x3FB6] =	sst s9;
	s0 =	simm.s32 @!p0 $0x0  }
0x12: {  	s1 =	sld [smem:$0x3F9C];
	s0 =	simm.s32 @p0 $0x1  }
0x13: {  	[smem:$0x3FB7] =	sst s0;
	s0 =	simm.s32 @!p1 $0x0  }
0x14: {  	s2 =	sld [smem:$0x3F9B];
	s0 =	simm.s32 @p1 $0x1  }
0x15: {  	[smem:$0x3FB8] =	sst s0;
	s0 =	simm.s32 @!p2 $0x0  }
0x16: {  	s3 =	sld [smem:$0x3FDB];
	s0 =	simm.s32 @p2 $0x1  }
0x17: {  	s4 =	simm.s32 $0x1BF5;
	[smem:$0x3FBA] =	sst s0  }
0x18: {  	s0 =	sld [smem:$0x3F9D];
	_ =	swait.ge [sflag:s4], $0x0  }
0x19: {  	s7 =	sld [smem:$0x3F9E]  }
0x1a: {  	s8 =	sadd.s32 $0xFFFFE003, lr  }
0x1b: {  	s9 =	sadd.s32 $0xFFFFFEF7, lr;
	s5 =	simm.s32 $0xFFFFFFFF;
	p2 =	slt.u32 s8, $0xFFFFF086  }
0x1c: {  	p1 =	slt.u32 s9, $0xF7A;
	s5 =	simm.s32 @!p2 $0x0  }
0x1d: {  	s5 =	simm.s32 @p1 $0x1;
	p0 =	seq.s32 s7, s2  }
0x1e: {  	s7 =	smul.u32 @!p0 $0xF7A, s2;
	p2 =	seq.s32 @!p0 s5, $0x0  }
0x1f: {  	s9 =	smul.u32 $0xF7A, s1;
	s8 =	simm.s32 @!p0 $0x1BF5;
	p2 =	por !p2, p0  }
0x20: {  	[sflag:s8] =	ssyncset.s32 @!p0 $0xFFFFF086;
	s6 =	sadd.s32 @!p0 s3, s7;
	s7 =	simm.s32 @!p0 $0x108  }
0x21: {  	s3 =	sadd.s32 s3, s9;
	s6 =	sadd.s32 @!p0 $0x88, s6;
	s7 =	simm.s32 @p2 $0x1082  }
0x22: {  	[simem:s7], [sflag:s8] =	dma.local @!p0 [hbm:s6], $0xF7A  }
0x23: {  	s9 =	sor.u32 $0xD0000000, s2;
	s6 =	simm.s32 $0x108;
	_ =	swait.ge @!p0 [sflag:s8], $0x0  }
0x24: {  	s3 =	sadd.s32 $0x88, s3;
	s6 =	simm.s32 @!p1 $0x1082;
	[sflag:s4] =	ssyncset.s32 $0xFFFFF086  }
0x25: {  	[simem:s6], [sflag:s4] =	dma.local [hbm:s3], $0xF7A  }
0x26: {  	[smem:$0x3F9E] =	sst s1;
	(tag) =	ssettag s2;
	_ =	strace s9  }
0x27: {  	s1 =	sld [smem:$0x3FAE]  }
0x28: {  	s2 =	sld [smem:$0x3FAF]  }
0x29: {  	s4 =	sld [smem:$0x3FB1]  }
0x2a: {  	p0 =	seq.s32 s5, $0x0;
	s5 =	sld [smem:$0x3FB2]  }
0x2b: {  	s6 =	sld [smem:$0x3FB3]  }
0x2c: {  	s7 =	sld [smem:$0x3FB4]  }
0x2d: {  	s3 =	simm.s32 $0x108;
	s8 =	sld [smem:$0x3FB5]  }
0x2e: {  	s3 =	simm.s32 @!p0 $0x1082;
	s9 =	sld [smem:$0x3FB6]  }
0x2f: {  	lr =	sadd.s32 s0, s3;
	s0 =	sld [smem:$0x3FAD]  }
0x30: {  	s3 =	sld [smem:$0x3FB0]  }
0x31: {  	[smem:$0x3FB9] =	sst s10  }
0x32: {  	s10 =	sld [smem:$0x3FB7];
	_ =	sdelay $0x3  }
0x33: {  	p0 =	seq.s32 s10, $0x1;
	s10 =	sld [smem:$0x3FB9];
	_ =	sdelay $0x3  }
0x34: {  	[smem:$0x3FB9] =	sst s10  }
0x35: {  	s10 =	sld [smem:$0x3FB8];
	_ =	sdelay $0x3  }
0x36: {  	p1 =	seq.s32 s10, $0x1;
	s10 =	sld [smem:$0x3FB9];
	_ =	sdelay $0x3  }
0x37: {  	[smem:$0x3FB9] =	sst s10  }
0x38: {  	s10 =	sld [smem:$0x3FBA]  }
0x39: {  	_ = 	snop;
	(pc) =	sbr.ind lr, $3  }
0x3a: {  	_ = 	snop  }
0x3b: {  	_ = 	snop  }
0x3c: {  	p2 =	seq.s32 s10, $0x1;
	s10 =	sld [smem:$0x3FB9]  }
0x3d: {  	_ =	shalt  }
0x3e: {  	_ =	shalt  }
0x3f: {  	_ =	shalt  }
0x40: {  	_ =	shalt  }
0x41: {  	_ =	shalt  }
0x42: {  	_ =	shalt  }
0x43: {  	_ =	shalt  }
0x44: {  	_ =	shalt  }
0x45: {  	_ =	shalt  }
0x46: {  	_ =	shalt  }
0x47: {  	_ =	shalt  }
0x48: {  	_ =	shalt  }
0x49: {  	_ =	shalt  }
0x4a: {  	_ =	shalt  }
0x4b: {  	_ =	shalt  }
0x4c: {  	_ =	shalt  }
0x4d: {  	_ =	shalt  }
0x4e: {  	_ =	shalt  }
0x4f: {  	_ =	shalt  }
0x50: {  	_ =	shalt  }
0x51: {  	_ =	shalt  }
0x52: {  	_ =	shalt  }
0x53: {  	_ =	shalt  }
0x54: {  	_ =	shalt  }
0x55: {  	_ =	shalt  }
0x56: {  	_ =	shalt  }
0x57: {  	_ =	shalt  }
0x58: {  	_ =	shalt  }
0x59: {  	_ =	shalt  }
0x5a: {  	_ =	shalt  }
0x5b: {  	_ =	shalt  }
0x5c: {  	_ =	shalt  }
0x5d: {  	_ =	shalt  }
0x5e: {  	_ =	shalt  }
0x5f: {  	_ =	shalt  }
0x60: {  	_ =	shalt  }
0x61: {  	_ =	shalt  }
0x62: {  	_ =	shalt  }
0x63: {  	_ =	shalt  }
0x64: {  	_ =	shalt  }
0x65: {  	_ =	shalt  }
0x66: {  	_ =	shalt  }
0x67: {  	_ =	shalt  }
0x68: {  	_ =	shalt  }
0x69: {  	_ =	shalt  }
0x6a: {  	_ =	shalt  }
0x6b: {  	_ =	shalt  }
0x6c: {  	_ =	shalt  }
0x6d: {  	_ =	shalt  }
0x6e: {  	_ =	shalt  }
0x6f: {  	_ =	shalt  }
0x70: {  	_ =	shalt  }
0x71: {  	_ =	shalt  }
0x72: {  	_ =	shalt  }
0x73: {  	_ =	shalt  }
0x74: {  	_ =	shalt  }
0x75: {  	_ =	shalt  }
0x76: {  	_ =	shalt  }
0x77: {  	_ =	shalt  }
0x78: {  	_ =	shalt  }
0x79: {  	_ =	shalt  }
0x7a: {  	_ =	shalt  }
0x7b: {  	_ =	shalt  }
0x7c: {  	_ =	shalt  }
0x7d: {  	_ =	shalt  }
0x7e: {  	_ =	shalt  }
0x7f: {  	_ =	shalt  }
0x80: {  	_ =	shalt  }
0x81: {  	_ =	shalt  }
0x82: {  	_ =	shalt  }
0x83: {  	_ =	shalt  }
0x84: {  	_ =	shalt  }
0x85: {  	_ =	shalt  }
0x86: {  	_ =	shalt  }
0x87: {  	_ =	shalt  }
.Lfunc_end0:
.L_simem_size_0:
called_computation_lowered:
.L_overlay_start_0:
0x88: {  	s2 =	sld [smem:$0x3FD9]  }
0x89: {  	s3 =	sld [smem:$0x3FFE];
	_ =	sdelay $0x1  }
0x8a: {  	s1 =	srdreg.scid  }
0x8b: {  	s0 =	sand.u32 $0x1, s1  }
0x8c: {  	s16 =	sshll.u32 s0, $0xA;
	s2 =	sadd.s32 s3, s2  }
0x8d: {  	s2 =	sadd.s32 s2, s16  }
0x8e: {  	[smem:$0x3FC5] =	sst s2  }
0x8f: {  	_ = 	snop  }
0x90: {  	(tm) =	ssettm $0x1  }
0x91: {  	s17 =	sld [smem:$0x3FFB];
	_ =	sdelay $0x3  }
0x92: {  	_ =	strace s17  }
0x93: {  	s2 =	sld [smem:$0x3FFC];
	_ =	sdelay $0x3  }
0x94: {  	_ =	strace s2  }
0x95: {  	s2 =	sld [smem:$0x3FFD];
	_ =	sdelay $0x3  }
0x96: {  	_ =	strace s2  }
0x97: {  	_ =	strace $0x8FFFFFFF  }
0x98: {  	s18 =	sld [smem:$0x3FDB];
	_ =	sdelay $0x1  }
0x99: {  	s19 =	simm.s32 $_scs_section_size  }
0x9a: {  	s4 =	simm.s32 $_size__tile_overlayer_lowered;
	s5 =	simm.s32 $_tile_overlayer_lowered  }
0x9b: {  	s22 =	simm.s32 $0x1BFF;
	s21 =	sshll.u32 s5, $0x1;
	s2 =	sadd.s32 s19, s18  }
0x9c: {  	s6 =	simm.s32 $0x0;
	s20 =	sshll.u32 s4, $0x1;
	s4 =	sadd.s32 s21, s2  }
0x9d: {  	[timem:s6], [sflag:s22] =	dma.local [hbm:s4], s20  }
0x9e: {  	_ =	swait.ge [sflag:s22], s20  }
0x9f: {  	s3 =	ssub.s32 $0x0, s20;
	[sflag:s22] =	ssyncset.done $0x0  }
0xa0: {  	[sflag:s22] =	ssyncadd.s32 s3;
	_ =	sdelay $0x1  }
0xa1: {  	s23 =	simm.s32 $0x1B8B  }
0xa2: {  	_ =	swait.ge [sflag:s23], $0x1  }
0xa3: {  	[sflag:s23] =	ssyncset.done $0x0  }
0xa4: {  	s25 =	simm.s32 $0x1B8E;
	s24 =	sld [smem:$0x3FFE];
	[sflag:s23] =	ssyncadd.s32 $0xFFFFFFFF  }
0xa5: {  	s26 =	simm.s32 $execute0_lowered;
	[smem:$0x3FD2] =	sst s25  }
0xa6: {  	s4 =	sshll.u32 s26, $0x1;
	_ =	strace $0x80000046;
	[dreg:$0x1] =	wrdreg $0xFFFFFFFF  }
0xa7: {  	s28 =	simm.s32 $_size_execute0_lowered;
	s2 =	sadd.s32 s2, s4;
	[dreg:$0x0] =	wrdreg $0x0  }
0xa8: {  	s4 =	sshll.u32 s28, $0x1;
	[dreg:$0x2] =	wrdreg s2  }
0xa9: {  	[dreg:$0x3] =	wrdreg s4  }
0xaa: {  	[dreg:$0x4] =	wrdreg $0xC0  }
0xab: {  	_ =	task [dreg:s6], $0x5FFFF  }
0xac: {  	[dreg:$0x1] =	wrdreg $0xFFFFFFFF  }
0xad: {  	[dreg:$0x0] =	wrdreg $0x60  }
0xae: {  	[dreg:$0x2] =	wrdreg s24  }
0xaf: {  	[dreg:$0x3] =	wrdreg $0x9  }
0xb0: {  	_ =	task.clear_ibuf [dreg:s6], $0x4FFFF;
	_ =	strace $0x90000046  }
0xb1: {  	s29 =	simm.s32 $0x9;
	_ =	strace $0x80000048  }
0xb2: {  	_ =	swait.ge [sflag:s29], $0x1  }
0xb3: {  	[sflag:s29] =	ssyncadd.s32 $0xFFFFFFFF  }
0xb4: {  	_ =	strace $0x90000048  }
0xb5: {  	_ =	sfence  }
0xb6: {  	s30 =	sld [smem:$0x0];
	_ =	sdelay $0x2  }
0xb7: {  	s31 =	sshll.u32 s1, $0xD;
	s1 =	sshrl.u32 s1, $0x2  }
0xb8: {  	s3 =	sand.u32 $0x4000, s31;
	s1 =	sadd.s32 s1, s30  }
0xb9: {  	s0 =	sor.u32 s3, s0;
	s1 =	sshll.u32 s1, $0x11  }
0xba: {  	s0 =	sor.u32 s1, s0  }
0xbb: {  	s0 =	sadd.s32 $0x8F2B, s0  }
0xbc: {  	[sflag:s0] =	ssyncadd.remote.s32 $0x1  }
0xbd: {  	_ =	sfence.sel $0xFFFF  }
0xbe: {  	[dreg:$0x0] =	wrdreg $0xFFFFFFFF;
	(pc) =	sbr.abs _section_cstart, $3  }
0xbf: {  	[dreg:$0x1] =	wrdreg $0xFFFFFFFF  }
0xc0: {  	_ =	task.clear_ibuf [dreg:s6], $0x2FFFF;
	_ =	strace $0x9FFFFFFF  }
0xc1: {  	(tm) =	ssettm $0x7FFFFFFF  }
tec
execute0_lowered:
.L_overlay_start_1:
0x0: {  	(tag) =	ssettag $0x1  }
0x1: {  	s1 =	stileid.u32  }
0x2: {  	p0 =	sgt.u32 s1, $0x3  }
.Ltmp0:
0x3: {  	_ = 	snop;
	(pc) =	sbr.rel @p0 .LBB2_5-.Ltmp0, $4  }
0x4: {  	_ = 	snop  }
0x5: {  	s4 =	rddreg [dreg:$0x0];
	s2 =	simm.s32 $0x0  }
0x6: {  	[smem:$0x7FF] =	sst s2  }
0x7: {  	s0 =	rddreg [dreg:$0x1];
	_ =	strace $0x80000047  }
0x8: {  	v0 =	vimm.s32 $0xFEDCBA98;
	v1 =	vimm.s32 $0x76543210;
	v2 =	vimm.s32 $0xBA98FEDC  }
0x9: {  	v3 =	vimm.s32 $0x32107654;
	v4 =	vimm.s32 $0xDCFE98BA;
	v5 =	vimm.s32 $0x54761032  }
0xa: {  	v6 =	vimm.s32 $0xEFCDAB89;
	v7 =	vimm.s32 $0x67452301;
	v0 =	vunpack.c.l.s4.s8 v0  }
0xb: {  	v1 =	vunpack.c.l.s4.s8 v1;
	v2 =	vunpack.c.l.s4.s8 v2;
	v3 =	vunpack.c.l.s4.s8 v3  }
0xc: {  	v4 =	vunpack.c.l.s4.s8 v4;
	v5 =	vunpack.c.l.s4.s8 v5;
	v6 =	vunpack.c.l.s4.s8 v6  }
0xd: {  	v7 =	vunpack.c.l.s4.s8 v7;
	v0 =	vunpack.c.0.s8.s32 v0;
	v2 =	vunpack.c.0.s8.s32 v2  }
0xe: {  	v3 =	vunpack.c.0.s8.s32 v3;
	v4 =	vunpack.c.0.s8.s32 v4;
	v5 =	vunpack.c.0.s8.s32 v5  }
0xf: {  	v6 =	vunpack.c.0.s8.s32 v6;
	v7 =	vunpack.c.0.s8.s32 v7;
	v1 =	vunpack.c.0.s8.s32 v1  }
0x10: {  	v2 =	vcombine.low v3, v2;
	v3 =	vand.u32 $0xF, v0;
	v4 =	vcombine.low v5, v4  }
0x11: {  	s3 =	srdreg.scid;
	v5 =	vcombine.low v7, v6;
	v0 =	vlaneseq.u32;
	v1 =	vcombine.low v3, v1  }
0x12: {  	s3 =	sand.u32 $0x1, s3;
	v6 =	vor.u32 $0xE0, v0;
	v7 =	vor.u32 $0xD0, v0;
	v8 =	vor.u32 $0xC0, v0  }
0x13: {  	s5 =	sshll.u32 s1, $0x5;
	s8 =	simm.s32 $0x1;
	s6 =	sshll.u32 s3, $0x4;
	v9 =	vor.u32 $0xB0, v0;
	v10 =	vor.u32 $0xA0, v0;
	v11 =	vor.u32 $0x90, v0  }
0x14: {  	s9 =	simm.s32 $0x10100;
	s30 =	ssub.s32 $0x2, s3;
	s5 =	sor.u32 s6, s5;
	v12 =	vor.u32 $0x80, v0;
	v13 =	vor.u32 $0x70, v0;
	v14 =	vor.u32 $0x60, v0  }
0x15: {  	s10 =	simm.s32 $0x0;
	s7 =	sshrl.u32 s30, $0x1;
	s31 =	sadd.s32 s5, s4;
	v15 =	vor.u32 $0x50, v0;
	v16 =	vor.u32 $0x40, v0;
	v17 =	vor.u32 $0x30, v0  }
0x16: {  	s6 =	ssub.s32 s30, s7;
	s4 =	sadd.s32 s4, s5;
	s7 =	simm.s32 $0x400;
	v18 =	vor.u32 $0x20, v0;
	v19 =	vor.u32 $0x10, v0;
	v2 =	vand.u32 $0xF, v2  }
0x17: {  	s3 =	sadd.s32 $0x10000, s31;
	s5 =	smax.u32 s6, $0x1;
	s6 =	simm.s32 $0x80;
	v3 =	vand.u32 $0xF, v4;
	v4 =	vand.u32 $0xF, v5;
	v5 =	vor.u32 $0xF0, v0  }
.LBB2_2:
0x18: {  	[tilespmem:s2], [sflag:$0x1] =	stream.strided.gather [hbm4b:s4+s6], $0x10000, s7, s6, $0x38;
	[tilespmem:$0x10180] =	vst v63  }
0x19: {  	_ =	swait.ge [sflag:s8], $0x10000  }
0x1a: {  	[sflag:s8] =	ssyncset.done $0x0  }
0x1b: {  	[sflag:s8] =	ssyncadd.s32 $0xFFFF0000  }
0x1c: {  	v20 =	vld [tilespmem:$0x0];
	_ =	sdelay $0x1  }
0x1d: {  	v31 =	vld [tilespmem:$0x10]  }
0x1e: {  	v33 =	vld [tilespmem:$0x20]  }
0x1f: {  	vm0 =	veq.s32 v0, $0x0;
	v34 =	vld [tilespmem:$0x30]  }
0x20: {  	v36 =	vld [tilespmem:$0x40];
	v35 =	vsel vm0, $0x7F61B1E6, v20  }
0x21: {  	v20 =	vld [tilespmem:$0x50];
	v21 =	vmin.f32 v35, $3.000000010e+38  }
0x22: {  	v22 =	vmin.f32 v21, v31;
	v21 =	vld [tilespmem:$0x60]  }
0x23: {  	v23 =	vmin.f32 v22, v33;
	v22 =	vld [tilespmem:$0x70]  }
0x24: {  	v24 =	vmin.f32 v23, v34;
	v23 =	vld [tilespmem:$0x80]  }
0x25: {  	v25 =	vmin.f32 v24, v36;
	v24 =	vld [tilespmem:$0x90]  }
0x26: {  	v26 =	vmin.f32 v25, v20;
	v25 =	vld [tilespmem:$0xA0]  }
0x27: {  	v27 =	vmin.f32 v26, v21;
	v26 =	vld [tilespmem:$0xB0]  }
0x28: {  	v28 =	vmin.f32 v27, v22;
	v27 =	vld [tilespmem:$0xC0]  }
0x29: {  	v29 =	vmin.f32 v28, v23;
	v28 =	vld [tilespmem:$0xD0]  }
0x2a: {  	v30 =	vmin.f32 v29, v24;
	v29 =	vld [tilespmem:$0xE0]  }
0x2b: {  	v32 =	vmin.f32 v30, v25;
	v30 =	vld [tilespmem:$0xF0]  }
0x2c: {  	v32 =	vmin.f32 v32, v26  }
0x2d: {  	v32 =	vmin.f32 v32, v27  }
0x2e: {  	v32 =	vmin.f32 v32, v28  }
0x2f: {  	v32 =	vmin.f32 v32, v29  }
0x30: {  	v32 =	vmin.f32 v32, v30  }
0x31: {  	v37 =	vperm.xlane v32, v1;
	_ =	sdelay $0x1  }
0x32: {  	v32 =	vmin.f32 v32, v37  }
0x33: {  	v37 =	vperm.xlane v32, v2;
	_ =	sdelay $0x1  }
0x34: {  	v32 =	vmin.f32 v32, v37  }
0x35: {  	v37 =	vperm.xlane v32, v3;
	_ =	sdelay $0x1  }
0x36: {  	v32 =	vmin.f32 v32, v37  }
0x37: {  	v37 =	vperm.xlane v32, v4;
	_ =	sdelay $0x1  }
0x38: {  	v32 =	vmin.f32 v32, v37  }
0x39: {  	vm5 =	veq.f32 v30, v32  }
0x3a: {  	vm1 =	veq.f32 v29, v32;
	v46 =	vnsel vm5, $0x40000000, v5  }
0x3b: {  	vm6 =	veq.f32 v28, v32;
	v37 =	vsel vm1, v6, v46  }
0x3c: {  	vm7 =	veq.f32 v27, v32;
	v37 =	vsel vm6, v7, v37  }
0x3d: {  	vm8 =	veq.f32 v26, v32;
	v37 =	vsel vm7, v8, v37  }
0x3e: {  	[tilespmem:$0x10040] =	vst v36;
	vm9 =	veq.f32 v25, v32;
	v47 =	vsel vm8, v9, v37  }
0x3f: {  	[tilespmem:$0x10030] =	vst v34;
	v48 =	vld [tilespmem:$0x10040];
	vm10 =	veq.f32 v24, v32;
	v36 =	vsel vm9, v10, v47  }
0x40: {  	[tilespmem:$0x10020] =	vst v33;
	v49 =	vld [tilespmem:$0x10030];
	vm11 =	veq.f32 v23, v32;
	v36 =	vsel vm10, v11, v36  }
0x41: {  	[tilespmem:$0x10010] =	vst v31;
	v50 =	vld [tilespmem:$0x10020];
	vm12 =	veq.f32 v22, v32;
	v31 =	vsel vm11, v12, v36  }
0x42: {  	[tilespmem:$0x10000] =	vst v35;
	v51 =	vld [tilespmem:$0x10010];
	vm13 =	veq.f32 v21, v32;
	v31 =	vsel vm12, v13, v31  }
0x43: {  	v52 =	vld [tilespmem:$0x10000];
	vm14 =	veq.f32 v20, v32;
	v31 =	vsel vm13, v14, v31  }
0x44: {  	vm15 =	veq.f32 v48, v32;
	v31 =	vsel vm14, v15, v31  }
0x45: {  	vm4 =	veq.f32 v49, v32;
	v31 =	vsel vm15, v16, v31  }
0x46: {  	vm5 =	veq.f32 v50, v32;
	v31 =	vsel vm4, v17, v31  }
0x47: {  	vm6 =	veq.f32 v51, v32;
	v31 =	vsel vm5, v18, v31  }
0x48: {  	vm7 =	veq.f32 v52, v32;
	v31 =	vsel vm6, v19, v31  }
0x49: {  	v31 =	vsel vm7, v0, v31  }
0x4a: {  	v38 =	vperm.xlane v31, v1;
	_ =	sdelay $0x1  }
0x4b: {  	vm8 =	vlt.s32 v31, v38  }
0x4c: {  	v31 =	vsel vm8, v31, v38  }
0x4d: {  	v38 =	vperm.xlane v31, v2;
	_ =	sdelay $0x1  }
0x4e: {  	vm0 =	vlt.s32 v31, v38  }
0x4f: {  	v31 =	vsel vm0, v31, v38  }
0x50: {  	v38 =	vperm.xlane v31, v3;
	_ =	sdelay $0x1  }
0x51: {  	vm0 =	vlt.s32 v31, v38  }
0x52: {  	[tilespmem:$0x10050] =	vst v20;
	v31 =	vsel vm0, v31, v38  }
0x53: {  	[tilespmem:$0x10060] =	vst v21;
	v38 =	vperm.xlane v31, v4  }
0x54: {  	[tilespmem:$0x10070] =	vst v22  }
0x55: {  	[tilespmem:$0x10080] =	vst v23;
	vm0 =	vlt.s32 v31, v38  }
0x56: {  	[tilespmem:$0x10090] =	vst v24;
	v31 =	vsel vm0, v31, v38  }
0x57: {  	[tilespmem:$0x100A0] =	vst v25;
	v38 =	vshll.u32 v31, $0x8  }
0x58: {  	[tilespmem:$0x100B0] =	vst v26;
	v39 =	vor.u32 v0, v38  }
0x59: {  	[tilespmem:$0x100C0] =	vst v27  }
0x5a: {  	[tilespmem:$0x100D0] =	vst v28  }
0x5b: {  	[tilespmem:$0x100E0] =	vst v29  }
0x5c: {  	[tilespmem:$0x100F0] =	vst v30  }
0x5d: {  	v39 =	vld.idx.msk [tilespmem:v39+s2+$0x0], $0xffff;
	_ =	sdelay $0x2  }
0x5e: {  	v40 =	vor.u32 v19, v38  }
0x5f: {  	vm9 =	veq.f32 v52, $3.000000010e+38;
	vm0 =	veq.s32 v31, v0  }
0x60: {  	vm0 =	vmor vm9, vm0;
	v36 =	vmin.f32 v52, v39  }
0x61: {  	v36 =	vsel vm0, $0x7F61B1E6, v36  }
0x62: {  	[tilespmem:$0x10000] =	vst v36  }
0x63: {  	v53 =	vld.idx.msk [tilespmem:v40+s2+$0x0], $0xffff;
	_ =	sdelay $0x2  }
0x64: {  	v54 =	vor.u32 v18, v38  }
0x65: {  	vm11 =	veq.f32 v51, $3.000000010e+38;
	vm10 =	veq.s32 v31, v19  }
0x66: {  	vm0 =	vmor vm11, vm10;
	v35 =	vmin.f32 v51, v53  }
0x67: {  	v35 =	vsel vm0, $0x7F61B1E6, v35  }
0x68: {  	[tilespmem:$0x10010] =	vst v35  }
0x69: {  	v55 =	vld.idx.msk [tilespmem:v54+s2+$0x0], $0xffff;
	_ =	sdelay $0x2  }
0x6a: {  	v56 =	vor.u32 v17, v38  }
0x6b: {  	vm13 =	veq.f32 v50, $3.000000010e+38;
	vm12 =	veq.s32 v31, v18  }
0x6c: {  	vm0 =	vmor vm13, vm12;
	v37 =	vmin.f32 v50, v55  }
0x6d: {  	v37 =	vsel vm0, $0x7F61B1E6, v37  }
0x6e: {  	[tilespmem:$0x10020] =	vst v37  }
0x6f: {  	v57 =	vld.idx.msk [tilespmem:v56+s2+$0x0], $0xffff;
	_ =	sdelay $0x2  }
0x70: {  	v58 =	vor.u32 v16, v38  }
0x71: {  	vm15 =	veq.f32 v49, $3.000000010e+38;
	vm14 =	veq.s32 v31, v17  }
0x72: {  	vm0 =	vmor vm15, vm14;
	v33 =	vmin.f32 v49, v57  }
0x73: {  	v33 =	vsel vm0, $0x7F61B1E6, v33  }
0x74: {  	[tilespmem:$0x10030] =	vst v33  }
0x75: {  	v59 =	vld.idx.msk [tilespmem:v58+s2+$0x0], $0xffff;
	_ =	sdelay $0x2  }
0x76: {  	v60 =	vor.u32 v15, v38  }
0x77: {  	vm5 =	veq.f32 v48, $3.000000010e+38;
	vm4 =	veq.s32 v31, v16  }
0x78: {  	vm0 =	vmor vm5, vm4;
	v34 =	vmin.f32 v48, v59  }
0x79: {  	v34 =	vsel vm0, $0x7F61B1E6, v34  }
0x7a: {  	[tilespmem:$0x10040] =	vst v34  }
0x7b: {  	v61 =	vld.idx.msk [tilespmem:v60+s2+$0x0], $0xffff;
	_ =	sdelay $0x2  }
0x7c: {  	v62 =	vor.u32 v14, v38  }
0x7d: {  	vm7 =	veq.f32 v20, $3.000000010e+38;
	vm6 =	veq.s32 v31, v15  }
0x7e: {  	vm0 =	vmor vm7, vm6;
	v20 =	vmin.f32 v20, v61  }
0x7f: {  	v20 =	vsel vm0, $0x7F61B1E6, v20  }
0x80: {  	[tilespmem:$0x10050] =	vst v20  }
0x81: {  	v63 =	vld.idx.msk [tilespmem:v62+s2+$0x0], $0xffff;
	_ =	sdelay $0x2  }
0x82: {  	v44 =	vor.u32 v13, v38  }
0x83: {  	vm8 =	veq.s32 v31, v14;
	vm9 =	veq.f32 v21, $3.000000010e+38  }
0x84: {  	vm0 =	vmor vm9, vm8;
	v21 =	vmin.f32 v21, v63  }
0x85: {  	v21 =	vsel vm0, $0x7F61B1E6, v21  }
0x86: {  	[tilespmem:$0x10060] =	vst v21  }
0x87: {  	v45 =	vld.idx.msk [tilespmem:v44+s2+$0x0], $0xffff;
	_ =	sdelay $0x2  }
0x88: {  	v46 =	vor.u32 v12, v38  }
0x89: {  	vm10 =	veq.s32 v31, v13;
	vm11 =	veq.f32 v22, $3.000000010e+38  }
0x8a: {  	vm0 =	vmor vm11, vm10;
	v22 =	vmin.f32 v22, v45  }
0x8b: {  	v22 =	vsel vm0, $0x7F61B1E6, v22  }
0x8c: {  	[tilespmem:$0x10070] =	vst v22  }
0x8d: {  	v47 =	vld.idx.msk [tilespmem:v46+s2+$0x0], $0xffff;
	_ =	sdelay $0x2  }
0x8e: {  	v48 =	vor.u32 v11, v38  }
0x8f: {  	vm12 =	veq.s32 v31, v12;
	vm13 =	veq.f32 v23, $3.000000010e+38  }
0x90: {  	vm0 =	vmor vm13, vm12;
	v23 =	vmin.f32 v23, v47  }
0x91: {  	v23 =	vsel vm0, $0x7F61B1E6, v23  }
0x92: {  	[tilespmem:$0x10080] =	vst v23  }
0x93: {  	v49 =	vld.idx.msk [tilespmem:v48+s2+$0x0], $0xffff;
	_ =	sdelay $0x2  }
0x94: {  	v50 =	vor.u32 v10, v38  }
0x95: {  	vm14 =	veq.s32 v31, v11;
	vm15 =	veq.f32 v24, $3.000000010e+38  }
0x96: {  	vm0 =	vmor vm15, vm14;
	v24 =	vmin.f32 v24, v49  }
0x97: {  	v24 =	vsel vm0, $0x7F61B1E6, v24  }
0x98: {  	[tilespmem:$0x10090] =	vst v24  }
0x99: {  	v51 =	vld.idx.msk [tilespmem:v50+s2+$0x0], $0xffff;
	_ =	sdelay $0x2  }
0x9a: {  	v52 =	vor.u32 v9, v38  }
0x9b: {  	vm4 =	veq.s32 v31, v10;
	vm5 =	veq.f32 v25, $3.000000010e+38  }
0x9c: {  	vm0 =	vmor vm5, vm4;
	v25 =	vmin.f32 v25, v51  }
0x9d: {  	v25 =	vsel vm0, $0x7F61B1E6, v25  }
0x9e: {  	[tilespmem:$0x100A0] =	vst v25  }
0x9f: {  	v53 =	vld.idx.msk [tilespmem:v52+s2+$0x0], $0xffff;
	_ =	sdelay $0x2  }
0xa0: {  	v54 =	vor.u32 v8, v38  }
0xa1: {  	vm6 =	veq.s32 v31, v9;
	vm7 =	veq.f32 v26, $3.000000010e+38  }
0xa2: {  	vm0 =	vmor vm7, vm6;
	v26 =	vmin.f32 v26, v53  }
0xa3: {  	v26 =	vsel vm0, $0x7F61B1E6, v26  }
0xa4: {  	[tilespmem:$0x100B0] =	vst v26  }
0xa5: {  	v55 =	vld.idx.msk [tilespmem:v54+s2+$0x0], $0xffff;
	_ =	sdelay $0x2  }
0xa6: {  	v56 =	vor.u32 v7, v38  }
0xa7: {  	vm8 =	veq.s32 v31, v8;
	vm9 =	veq.f32 v27, $3.000000010e+38  }
0xa8: {  	vm0 =	vmor vm9, vm8;
	v27 =	vmin.f32 v27, v55  }
0xa9: {  	v27 =	vsel vm0, $0x7F61B1E6, v27  }
0xaa: {  	[tilespmem:$0x100C0] =	vst v27  }
0xab: {  	v57 =	vld.idx.msk [tilespmem:v56+s2+$0x0], $0xffff;
	_ =	sdelay $0x2  }
0xac: {  	v58 =	vor.u32 v6, v38  }
0xad: {  	vm10 =	veq.s32 v31, v7;
	vm11 =	veq.f32 v28, $3.000000010e+38  }
0xae: {  	vm0 =	vmor vm11, vm10;
	v28 =	vmin.f32 v28, v57  }
0xaf: {  	v28 =	vsel vm0, $0x7F61B1E6, v28  }
0xb0: {  	[tilespmem:$0x100D0] =	vst v28  }
0xb1: {  	v36 =	vmin.f32 v36, $3.000000010e+38;
	v59 =	vld.idx.msk [tilespmem:v58+s2+$0x0], $0xffff  }
0xb2: {  	v35 =	vmin.f32 v36, v35  }
0xb3: {  	v35 =	vmin.f32 v35, v37  }
0xb4: {  	v33 =	vmin.f32 v35, v33;
	v60 =	vor.u32 v5, v38  }
0xb5: {  	v33 =	vmin.f32 v33, v34;
	vm12 =	veq.s32 v31, v6;
	vm13 =	veq.f32 v29, $3.000000010e+38  }
0xb6: {  	v33 =	vmin.f32 v33, v20;
	vm0 =	vmor vm13, vm12;
	v29 =	vmin.f32 v29, v59  }
0xb7: {  	v33 =	vmin.f32 v33, v21;
	v29 =	vsel vm0, $0x7F61B1E6, v29  }
0xb8: {  	v33 =	vmin.f32 v33, v22;
	[tilespmem:$0x100E0] =	vst v29  }
0xb9: {  	v33 =	vmin.f32 v33, v23;
	v61 =	vld.idx.msk [tilespmem:v60+s2+$0x0], $0xffff  }
0xba: {  	v33 =	vmin.f32 v33, v24  }
0xbb: {  	v33 =	vmin.f32 v33, v25  }
0xbc: {  	vm14 =	veq.s32 v31, v5;
	v31 =	vmin.f32 v33, v26  }
0xbd: {  	v62 =	vimm.f32 $0.0e+00;
	vm15 =	veq.f32 v30, $3.000000010e+38;
	v31 =	vmin.f32 v31, v27  }
0xbe: {  	v63 =	vmin.f32 v31, v28;
	vm0 =	vmor vm15, vm14;
	v30 =	vmin.f32 v30, v61  }
0xbf: {  	s11 =	simm.s32 $0xFE;
	v31 =	vsel vm0, $0x7F61B1E6, v30;
	v30 =	vadd.f32 v32, v62;
	v32 =	vmin.f32 v63, v29  }
.LBB2_3:
0xc0: {  	v32 =	vmin.f32 v32, v31  }
0xc1: {  	v33 =	vperm.xlane v32, v1;
	_ =	sdelay $0x1  }
0xc2: {  	v32 =	vmin.f32 v32, v33  }
0xc3: {  	v33 =	vperm.xlane v32, v2;
	_ =	sdelay $0x1  }
0xc4: {  	v32 =	vmin.f32 v32, v33  }
0xc5: {  	v33 =	vperm.xlane v32, v3;
	_ =	sdelay $0x1  }
0xc6: {  	v32 =	vmin.f32 v32, v33  }
0xc7: {  	v33 =	vperm.xlane v32, v4;
	_ =	sdelay $0x1  }
0xc8: {  	v32 =	vmin.f32 v32, v33  }
0xc9: {  	vm0 =	veq.f32 v31, v32  }
0xca: {  	vm1 =	veq.f32 v29, v32;
	v52 =	vnsel vm0, $0x40000000, v5  }
0xcb: {  	vm12 =	veq.f32 v28, v32;
	v33 =	vsel vm1, v6, v52  }
0xcc: {  	vm13 =	veq.f32 v27, v32;
	v33 =	vsel vm12, v7, v33  }
0xcd: {  	vm14 =	veq.f32 v26, v32;
	v33 =	vsel vm13, v8, v33  }
0xce: {  	vm15 =	veq.f32 v25, v32;
	v33 =	vsel vm14, v9, v33  }
0xcf: {  	v37 =	vld [tilespmem:$0x10040];
	vm4 =	veq.f32 v24, v32;
	v33 =	vsel vm15, v10, v33  }
0xd0: {  	v36 =	vld [tilespmem:$0x10030];
	vm5 =	veq.f32 v23, v32;
	v33 =	vsel vm4, v11, v33  }
0xd1: {  	v35 =	vld [tilespmem:$0x10020];
	vm6 =	veq.f32 v22, v32;
	v33 =	vsel vm5, v12, v33  }
0xd2: {  	v34 =	vld [tilespmem:$0x10010];
	vm7 =	veq.f32 v21, v32;
	v33 =	vsel vm6, v13, v33  }
0xd3: {  	v38 =	vld [tilespmem:$0x10000];
	vm8 =	veq.f32 v20, v32;
	v33 =	vsel vm7, v14, v33  }
0xd4: {  	vm9 =	veq.f32 v37, v32;
	v33 =	vsel vm8, v15, v33  }
0xd5: {  	vm10 =	veq.f32 v36, v32;
	v33 =	vsel vm9, v16, v33  }
0xd6: {  	vm11 =	veq.f32 v35, v32;
	v33 =	vsel vm10, v17, v33  }
0xd7: {  	vm12 =	veq.f32 v34, v32;
	v33 =	vsel vm11, v18, v33  }
0xd8: {  	vm13 =	veq.f32 v38, v32;
	v53 =	vsel vm12, v19, v33  }
0xd9: {  	v30 =	vadd.f32 v32, v30;
	v32 =	vsel vm13, v0, v53  }
0xda: {  	v54 =	vperm.xlane v32, v1;
	_ =	sdelay $0x1  }
0xdb: {  	vm14 =	vlt.s32 v32, v54  }
0xdc: {  	v32 =	vsel vm14, v32, v54  }
0xdd: {  	v33 =	vperm.xlane v32, v2;
	_ =	sdelay $0x1  }
0xde: {  	vm0 =	vlt.s32 v32, v33  }
0xdf: {  	v32 =	vsel vm0, v32, v33  }
0xe0: {  	v33 =	vperm.xlane v32, v3;
	_ =	sdelay $0x1  }
0xe1: {  	vm0 =	vlt.s32 v32, v33  }
0xe2: {  	v32 =	vsel vm0, v32, v33  }
0xe3: {  	v33 =	vperm.xlane v32, v4;
	_ =	sdelay $0x1  }
0xe4: {  	vm0 =	vlt.s32 v32, v33  }
0xe5: {  	v33 =	vsel vm0, v32, v33  }
0xe6: {  	v32 =	vshll.u32 v33, $0x8  }
0xe7: {  	v39 =	vor.u32 v0, v32;
	_ =	sdelay $0x2  }
0xe8: {  	v55 =	vimm.s32 $0x0;
	vm15 =	veq.s32 v33, v0  }
0xe9: {  	[tilespmem:$0x100F0] =	vst v31;
	vm14 =	veq.s32 v33, v19;
	vm13 =	veq.s32 v33, v18;
	vm12 =	veq.s32 v33, v17  }
0xea: {  	vm11 =	veq.s32 v33, v16;
	vm10 =	veq.s32 v33, v15;
	vm9 =	veq.s32 v33, v14;
	v56 =	vld.idx.msk [tilespmem:v39+s2+$0x0], $0xffff  }
0xeb: {  	vm8 =	veq.s32 v33, v13;
	vm7 =	veq.s32 v33, v12;
	vm6 =	veq.s32 v33, v11  }
0xec: {  	vm5 =	veq.s32 v33, v10;
	vm4 =	veq.s32 v33, v9;
	vm3 =	veq.s32 v33, v8  }
0xed: {  	vm2 =	veq.s32 v33, v7;
	vm0 =	veq.s32 v33, v5;
	v57 =	vor.u32 v19, v32  }
0xee: {  	vm1 =	veq.s32 v33, v6;
	v33 =	vsel vm0, $0xFFFFFFFF, v55;
	vm0 =	veq.f32 v38, $3.000000010e+38  }
0xef: {  	[tilespmem:$0x1FFF0] =	vst v33;
	vm0 =	vmor vm0, vm15;
	v33 =	vmin.f32 v38, v56  }
0xf0: {  	v33 =	vsel vm0, $0x7F61B1E6, v33  }
0xf1: {  	[tilespmem:$0x10000] =	vst v33  }
0xf2: {  	v58 =	vld.idx.msk [tilespmem:v57+s2+$0x0], $0xffff;
	_ =	sdelay $0x2  }
0xf3: {  	v59 =	vor.u32 v18, v32  }
0xf4: {  	vm15 =	veq.f32 v34, $3.000000010e+38  }
0xf5: {  	vm0 =	vmor vm15, vm14;
	v34 =	vmin.f32 v34, v58  }
0xf6: {  	v34 =	vsel vm0, $0x7F61B1E6, v34  }
0xf7: {  	[tilespmem:$0x10010] =	vst v34  }
0xf8: {  	v60 =	vld.idx.msk [tilespmem:v59+s2+$0x0], $0xffff;
	_ =	sdelay $0x2  }
0xf9: {  	v61 =	vor.u32 v17, v32  }
0xfa: {  	vm15 =	veq.f32 v35, $3.000000010e+38  }
0xfb: {  	vm0 =	vmor vm15, vm13;
	v35 =	vmin.f32 v35, v60  }
0xfc: {  	v35 =	vsel vm0, $0x7F61B1E6, v35  }
0xfd: {  	[tilespmem:$0x10020] =	vst v35  }
0xfe: {  	v62 =	vld.idx.msk [tilespmem:v61+s2+$0x0], $0xffff;
	_ =	sdelay $0x2  }
0xff: {  	v63 =	vor.u32 v16, v32  }
0x100: {  	vm14 =	veq.f32 v36, $3.000000010e+38  }
0x101: {  	vm0 =	vmor vm14, vm12;
	v36 =	vmin.f32 v36, v62  }
0x102: {  	v36 =	vsel vm0, $0x7F61B1E6, v36  }
0x103: {  	[tilespmem:$0x10030] =	vst v36  }
0x104: {  	v42 =	vld.idx.msk [tilespmem:v63+s2+$0x0], $0xffff;
	_ =	sdelay $0x2  }
0x105: {  	v43 =	vor.u32 v15, v32  }
0x106: {  	vm15 =	veq.f32 v37, $3.000000010e+38  }
0x107: {  	vm0 =	vmor vm15, vm11;
	v37 =	vmin.f32 v37, v42  }
0x108: {  	v37 =	vsel vm0, $0x7F61B1E6, v37  }
0x109: {  	[tilespmem:$0x10040] =	vst v37  }
0x10a: {  	v44 =	vld.idx.msk [tilespmem:v43+s2+$0x0], $0xffff;
	_ =	sdelay $0x2  }
0x10b: {  	v45 =	vor.u32 v14, v32  }
0x10c: {  	vm12 =	veq.f32 v20, $3.000000010e+38  }
0x10d: {  	vm0 =	vmor vm12, vm10;
	v20 =	vmin.f32 v20, v44  }
0x10e: {  	v20 =	vsel vm0, $0x7F61B1E6, v20  }
0x10f: {  	[tilespmem:$0x10050] =	vst v20  }
0x110: {  	v46 =	vld.idx.msk [tilespmem:v45+s2+$0x0], $0xffff;
	_ =	sdelay $0x2  }
0x111: {  	v47 =	vor.u32 v13, v32  }
0x112: {  	vm13 =	veq.f32 v21, $3.000000010e+38  }
0x113: {  	vm0 =	vmor vm13, vm9;
	v21 =	vmin.f32 v21, v46  }
0x114: {  	v21 =	vsel vm0, $0x7F61B1E6, v21  }
0x115: {  	[tilespmem:$0x10060] =	vst v21  }
0x116: {  	v48 =	vld.idx.msk [tilespmem:v47+s2+$0x0], $0xffff;
	_ =	sdelay $0x2  }
0x117: {  	v49 =	vor.u32 v12, v32  }
0x118: {  	vm14 =	veq.f32 v22, $3.000000010e+38  }
0x119: {  	vm0 =	vmor vm14, vm8;
	v22 =	vmin.f32 v22, v48  }
0x11a: {  	v22 =	vsel vm0, $0x7F61B1E6, v22  }
0x11b: {  	[tilespmem:$0x10070] =	vst v22  }
0x11c: {  	v50 =	vld.idx.msk [tilespmem:v49+s2+$0x0], $0xffff;
	_ =	sdelay $0x2  }
0x11d: {  	v51 =	vor.u32 v11, v32  }
0x11e: {  	vm15 =	veq.f32 v23, $3.000000010e+38  }
0x11f: {  	vm0 =	vmor vm15, vm7;
	v23 =	vmin.f32 v23, v50  }
0x120: {  	v23 =	vsel vm0, $0x7F61B1E6, v23  }
0x121: {  	[tilespmem:$0x10080] =	vst v23  }
0x122: {  	v52 =	vld.idx.msk [tilespmem:v51+s2+$0x0], $0xffff;
	_ =	sdelay $0x2  }
0x123: {  	v53 =	vor.u32 v10, v32  }
0x124: {  	vm8 =	veq.f32 v24, $3.000000010e+38  }
0x125: {  	vm0 =	vmor vm8, vm6;
	v24 =	vmin.f32 v24, v52  }
0x126: {  	v24 =	vsel vm0, $0x7F61B1E6, v24  }
0x127: {  	[tilespmem:$0x10090] =	vst v24  }
0x128: {  	v54 =	vld.idx.msk [tilespmem:v53+s2+$0x0], $0xffff;
	_ =	sdelay $0x2  }
0x129: {  	v55 =	vor.u32 v9, v32  }
0x12a: {  	vm9 =	veq.f32 v25, $3.000000010e+38  }
0x12b: {  	vm0 =	vmor vm9, vm5;
	v25 =	vmin.f32 v25, v54  }
0x12c: {  	v25 =	vsel vm0, $0x7F61B1E6, v25  }
0x12d: {  	[tilespmem:$0x100A0] =	vst v25  }
0x12e: {  	v56 =	vld.idx.msk [tilespmem:v55+s2+$0x0], $0xffff;
	_ =	sdelay $0x2  }
0x12f: {  	v57 =	vor.u32 v8, v32  }
0x130: {  	vm10 =	veq.f32 v26, $3.000000010e+38  }
0x131: {  	vm0 =	vmor vm10, vm4;
	v26 =	vmin.f32 v26, v56  }
0x132: {  	v26 =	vsel vm0, $0x7F61B1E6, v26  }
0x133: {  	[tilespmem:$0x100B0] =	vst v26  }
0x134: {  	v58 =	vld.idx.msk [tilespmem:v57+s2+$0x0], $0xffff;
	_ =	sdelay $0x2  }
0x135: {  	v59 =	vor.u32 v7, v32  }
0x136: {  	vm11 =	veq.f32 v27, $3.000000010e+38  }
0x137: {  	vm0 =	vmor vm11, vm3;
	v27 =	vmin.f32 v27, v58  }
0x138: {  	v27 =	vsel vm0, $0x7F61B1E6, v27  }
0x139: {  	[tilespmem:$0x100C0] =	vst v27  }
0x13a: {  	v60 =	vld.idx.msk [tilespmem:v59+s2+$0x0], $0xffff;
	_ =	sdelay $0x2  }
0x13b: {  	v61 =	vor.u32 v6, v32  }
0x13c: {  	vm12 =	veq.f32 v28, $3.000000010e+38  }
0x13d: {  	vm0 =	vmor vm12, vm2;
	v28 =	vmin.f32 v28, v60  }
0x13e: {  	v28 =	vsel vm0, $0x7F61B1E6, v28  }
0x13f: {  	[tilespmem:$0x100D0] =	vst v28  }
0x140: {  	v33 =	vmin.f32 v33, $3.000000010e+38;
	v62 =	vld.idx.msk [tilespmem:v61+s2+$0x0], $0xffff  }
0x141: {  	v33 =	vmin.f32 v33, v34  }
0x142: {  	v33 =	vmin.f32 v33, v35  }
0x143: {  	v32 =	vor.u32 v5, v32;
	v33 =	vmin.f32 v33, v36  }
0x144: {  	v33 =	vmin.f32 v33, v37;
	vm13 =	veq.f32 v29, $3.000000010e+38  }
0x145: {  	v33 =	vmin.f32 v33, v20;
	vm0 =	vmor vm13, vm1;
	v29 =	vmin.f32 v29, v62  }
0x146: {  	v33 =	vmin.f32 v33, v21;
	v29 =	vsel vm0, $0x7F61B1E6, v29  }
0x147: {  	v63 =	vld [tilespmem:$0x1FFF0];
	v33 =	vmin.f32 v33, v22;
	[tilespmem:$0x100E0] =	vst v29  }
0x148: {  	v33 =	vmin.f32 v33, v23;
	v32 =	vld.idx.msk [tilespmem:v32+s2+$0x0], $0xffff  }
0x149: {  	p0 =	sne.s32 s11, $0x1;
	v33 =	vmin.f32 v33, v24  }
.Ltmp1:
0x14a: {  	v33 =	vmin.f32 v33, v25;
	(pc) =	sbr.rel @p0 .LBB2_3-.Ltmp1, $4  }
0x14b: {  	v33 =	vmin.f32 v33, v26  }
0x14c: {  	vm14 =	veq.f32 v31, $3.000000010e+38;
	vm15 =	vnez.u8 v63;
	v33 =	vmin.f32 v33, v27  }
0x14d: {  	v33 =	vmin.f32 v33, v28;
	vm0 =	vmor vm14, vm15;
	v31 =	vmin.f32 v31, v32  }
0x14e: {  	s11 =	sadd.s32 $0xFFFFFFFF, s11;
	v32 =	vmin.f32 v33, v29;
	v31 =	vsel vm0, $0x7F61B1E6, v31  }
0x14f: {  	s10 =	sadd.s32 $0x1, s10  }
0x150: {  	[tilespmem:$0x100F0] =	vst v31;
	p0 =	sne.s32 s10, s5  }
.Ltmp2:
0x151: {  	[tilespmem:$0x10100] =	vst v30;
	(pc) =	sbr.rel @p0 .LBB2_2-.Ltmp2, $4  }
0x152: {  	[hbm4b:s3+s2] =	stream.linear.scatter [tilespmem:s9], [sflag:$0x1], $0x80, $0x38;
	[tilespmem:$0x10180] =	vst v63  }
0x153: {  	_ =	swait.ge [sflag:s8], $0x80  }
0x154: {  	[sflag:s8] =	ssyncset.done $0x0  }
0x155: {  	[sflag:s8] =	ssyncadd.s32 $0xFFFFFF80  }
.LBB2_5:
0x156: {  	_ =	sfence.sel $0x180000  }
0x157: {  	[bflag:$0x0] =	sbarrier.arrive $0xFFFF  }
0x158: {  	p0 =	sne.s32 s1, $0x0;
	_ =	strace $0x90000047  }
0x159: {  	s0 =	sadd.s32 @!p0 $0x100000, s0;
	[bflag:$0x2] =	sbarrier.arrive $0xFFFF  }
0x15a: {  	[sflag:s0] =	ssyncadd.tile.s32 @!p0 $0x1;
	_ =	shalt  }
.Lfunc_end2:
_tile_overlayer_lowered:
.L_overlay_start_2:
0x15b: {  	(tag) =	ssettag $0x2  }
0x15c: {  	s0 =	rddreg [dreg:$0x0];
	s2 =	stileid.u32  }
0x15d: {  	s1 =	rddreg [dreg:$0x1];
	p0 =	sne.s32 s2, $0x0  }
0x15e: {  	s3 =	rddreg [dreg:$0x2];
	[bflag:$0x3] =	sbarrier.arrive $0xFFFF;
	s2 =	simm.s32 @!p0 $0x1C01  }
0x15f: {  	[timem:s3], [sflag:s2] =	dma.local @!p0 [hbm:s0], s1  }
0x160: {  	s0 =	simm.s32 @!p0 $0x1  }
0x161: {  	_ =	swait.ge @!p0 [sflag:s0], s1  }
0x162: {  	s1 =	ssub.s32 @!p0 $0x0, s1;
	[sflag:s0] =	ssyncset.done @!p0 $0x0  }
0x163: {  	[sflag:s0] =	ssyncadd.s32 @!p0 s1  }
0x164: {  	[bflag:$0x3] =	sbarrier.arrive $0xFFFF  }
0x165: {  	_ =	shalt  }

</sc_bundles>
